<compile_context>
chip_gen: v7x
topology: tpu7x:2x2x1
jax: 0.10.2.dev20260603
libtpu: 0.0.44.dev20260713+nightly
codegen_flags: <defaults>
</compile_context>

<pallas_src>
import functools

import jax
import jax.numpy as jnp
from jax import lax
from jax.experimental import pallas as pl
from jax.experimental.pallas import tpu as pltpu
from jax.experimental.pallas import tpu_sc as plsc

_B, _S, _D = 4, 8192, 1024
_NC, _NS = 2, 16
_NW = _NC * _NS
_CH = 8
_LANES = 16
_SPW = _S // _NW
_NCHUNK = _SPW // _CH
_NT = _NCHUNK * _B
_NIN = 8
_NOUT = 4


def _sc_body(x_hbm, pos_hbm, out_hbm, *scratch):
    pos_bufs = list(scratch[0:2])
    x_bufs = list(scratch[2:2 + _NIN])
    o_bufs = list(scratch[2 + _NIN:2 + _NIN + _NOUT])
    nb = 2 + _NIN + _NOUT
    pos_sems = list(scratch[nb + 0:nb + 2])
    in_sems = list(scratch[nb + 2:nb + 2 + _NIN])
    out_sems = list(scratch[nb + 2 + _NIN:nb + 2 + _NIN + _NOUT])

    wid = lax.axis_index("c") * _NS + lax.axis_index("s")
    base = wid * _SPW

    def pos_src(ci):
        return pos_hbm.at[pl.ds(base + ci * _CH, _CH)]

    def x_src(ci, b):
        return x_hbm.at[b, pl.ds(base + ci * _CH, _CH)]

    def out_dst(ci, b):
        return out_hbm.at[b, pl.ds(base + ci * _CH, _CH)]

    pltpu.async_copy(pos_src(0), pos_bufs[0], pos_sems[0])
    pltpu.async_copy(pos_src(1), pos_bufs[1], pos_sems[1])
    for t in range(_NIN - 1):
        pltpu.async_copy(x_src(t // _B, t % _B), x_bufs[t % _NIN],
                         in_sems[t % _NIN])

    @pl.loop(0, _NCHUNK, step=2)
    def _pair(ci0):
        for k in range(2 * _B):
            ci = ci0 + k // _B
            b = k % _B
            islot = k % _NIN
            oslot = k % _NOUT
            pb = k // _B
            t = ci0 * _B + k

            s2 = (k + _NIN - 1) % _NIN
            ci2 = ci0 + (k + _NIN - 1) // _B
            b2 = (k + _NIN - 1) % _B

            @pl.when(t + _NIN - 1 < _NT)
            def _():
                pltpu.async_copy(x_src(ci2, b2), x_bufs[s2], in_sems[s2])

            if k % _B == 0:
                pltpu.make_async_copy(pos_src(ci), pos_bufs[pb],
                                      pos_sems[pb]).wait()
            pltpu.make_async_copy(x_src(ci, b), x_bufs[islot],
                                  in_sems[islot]).wait()

            @pl.when(t >= _NOUT)
            def _():
                pltpu.make_async_copy(o_bufs[oslot], out_dst(ci, b),
                                      out_sems[oslot]).wait()

            xb, ob, pbuf = x_bufs[islot], o_bufs[oslot], pos_bufs[pb]

            @plsc.parallel_loop(0, _CH * (_D // _LANES), unroll=8)
            def _elem(i):
                r = i // (_D // _LANES)
                sl = pl.ds((i % (_D // _LANES)) * _LANES, _LANES)
                ob[r, sl] = xb[r, sl] + pbuf[r, sl]

            pltpu.async_copy(ob, out_dst(ci, b), out_sems[oslot])

            if k % _B == _B - 1:
                @pl.when(ci + 2 < _NCHUNK)
                def _():
                    pltpu.async_copy(pos_src(ci + 2), pos_bufs[pb],
                                     pos_sems[pb])

    last = _NCHUNK - 1
    for j in range(_NOUT):
        pltpu.make_async_copy(o_bufs[j], out_dst(last, j),
                              out_sems[j]).wait()


_sc_call = functools.partial(
    pl.kernel,
    out_type=jax.ShapeDtypeStruct((_B, _S, _D), jnp.float32),
    mesh=plsc.VectorSubcoreMesh(
        core_axis_name="c", subcore_axis_name="s",
        num_cores=_NC, num_subcores=_NS,
    ),
    scratch_types=(
        [pltpu.VMEM((_CH, _D), jnp.float32)] * (2 + _NIN + _NOUT)
        + [pltpu.SemaphoreType.DMA] * (2 + _NIN + _NOUT)
    ),
    compiler_params=pltpu.CompilerParams(use_tc_tiling_on_sc=True),
)(_sc_body)


def kernel(x, pos_table):
    B, S, D = x.shape
    return _sc_call(x, pos_table[:S])

# --- scband reference (transcript-rebuilt; emitter-appended) ---
"""Pipeline reference for scband-positional-encoding-27590869909980 (READ-ONLY COPY).

The authoritative reference and input builder live on the scoring server;
editing this copy changes nothing except your own understanding.
"""

import jax, jax.numpy as jnp
import numpy as np

B, S, D = 4, 8192, 1024
MAX_LEN = 8192

def setup_inputs(seed: int = 0) -> dict:
    key = jax.random.key(seed)
    k1, k2 = jax.random.split(key)
    x = jax.random.normal(k1, (B, S, D), dtype=jnp.float32)
    pos_table = jax.random.normal(k2, (MAX_LEN, D), dtype=jnp.float32) * 0.02
    return {"x": x, "pos_table": pos_table}

def reference(x, pos_table):
    batch_size, seq_len, d_model = x.shape
    positions = jnp.arange(seq_len)[None, :]                 # [1, S]
    positions = jnp.broadcast_to(positions, (batch_size, seq_len))  # [B, S]
    pos_encoding = jnp.take(pos_table, positions, axis=0)    # [B, S, D] embedding gather
    x_with_pos = x + pos_encoding
    return x_with_pos

if __name__ == "__main__":
    import jax
    _d = setup_inputs()
    print(jax.jit(kernel)(*tuple(_d.values())))

</pallas_src>

<mosaic_0001>
#map = affine_map<(d0, d1) -> (0, 0, 0)>
#map1 = affine_map<(d0, d1) -> (0, 0)>
module attributes {stable_mosaic.version = 14 : i64} {
  func.func @_sc_body(%arg0: i32, %arg1: i32, %arg2: memref<4x8192x1024xf32, #tpu.memory_space<hbm>>, %arg3: memref<8192x1024xf32, #tpu.memory_space<hbm>>, %arg4: memref<4x8192x1024xf32, #tpu.memory_space<hbm>>, %arg5: memref<8x1024xf32, #tpu.memory_space<vmem>>, %arg6: memref<8x1024xf32, #tpu.memory_space<vmem>>, %arg7: memref<8x1024xf32, #tpu.memory_space<vmem>>, %arg8: memref<8x1024xf32, #tpu.memory_space<vmem>>, %arg9: memref<8x1024xf32, #tpu.memory_space<vmem>>, %arg10: memref<8x1024xf32, #tpu.memory_space<vmem>>, %arg11: memref<8x1024xf32, #tpu.memory_space<vmem>>, %arg12: memref<8x1024xf32, #tpu.memory_space<vmem>>, %arg13: memref<8x1024xf32, #tpu.memory_space<vmem>>, %arg14: memref<8x1024xf32, #tpu.memory_space<vmem>>, %arg15: memref<8x1024xf32, #tpu.memory_space<vmem>>, %arg16: memref<8x1024xf32, #tpu.memory_space<vmem>>, %arg17: memref<8x1024xf32, #tpu.memory_space<vmem>>, %arg18: memref<8x1024xf32, #tpu.memory_space<vmem>>, %arg19: memref<!tpu.dma_semaphore, #tpu.memory_space<semaphore_mem>>, %arg20: memref<!tpu.dma_semaphore, #tpu.memory_space<semaphore_mem>>, %arg21: memref<!tpu.dma_semaphore, #tpu.memory_space<semaphore_mem>>, %arg22: memref<!tpu.dma_semaphore, #tpu.memory_space<semaphore_mem>>, %arg23: memref<!tpu.dma_semaphore, #tpu.memory_space<semaphore_mem>>, %arg24: memref<!tpu.dma_semaphore, #tpu.memory_space<semaphore_mem>>, %arg25: memref<!tpu.dma_semaphore, #tpu.memory_space<semaphore_mem>>, %arg26: memref<!tpu.dma_semaphore, #tpu.memory_space<semaphore_mem>>, %arg27: memref<!tpu.dma_semaphore, #tpu.memory_space<semaphore_mem>>, %arg28: memref<!tpu.dma_semaphore, #tpu.memory_space<semaphore_mem>>, %arg29: memref<!tpu.dma_semaphore, #tpu.memory_space<semaphore_mem>>, %arg30: memref<!tpu.dma_semaphore, #tpu.memory_space<semaphore_mem>>, %arg31: memref<!tpu.dma_semaphore, #tpu.memory_space<semaphore_mem>>, %arg32: memref<!tpu.dma_semaphore, #tpu.memory_space<semaphore_mem>>) attributes {dimension_semantics = [#tpu.dimension_semantics<core_parallel>, #tpu.dimension_semantics<subcore_parallel>], iteration_bounds = array<i64: 2, 16>, scalar_prefetch = 0 : i64, scratch_operands = 28 : i64, tpu.core_type = #tpu.core_type<sc_vector_subcore>, window_params = [{transform_indices = #map}, {transform_indices = #map1}, {transform_indices = #map}]} {
    %mul3A = arith.constant 16 : i32
    %mul3A_0 = arith.muli %arg0, %mul3A : i32
    %add3A = arith.addi %mul3A_0, %arg1 : i32
    %mul3A_1 = arith.constant 256 : i32
    %mul3A_2 = arith.muli %add3A, %mul3A_1 : i32
    %add3A_3 = arith.constant 0 : i32
    %add3A_4 = arith.addi %mul3A_2, %add3A_3 : i32
    %dma_start3A = arith.constant 0 : i32
    %dma_start3A_5 = tpu.memref_slice %arg3[%add3A_4, %dma_start3A] : memref<8192x1024xf32, #tpu.memory_space<hbm>> -> memref<8x1024xf32, #tpu.memory_space<hbm>>
    %dma_start3A_6 = arith.constant 0 : i32
    %dma_start3A_7 = tpu.memref_slice %arg3[%add3A_4, %dma_start3A_6] : memref<8192x1024xf32, #tpu.memory_space<hbm>> -> memref<8x1024xf32, #tpu.memory_space<hbm>>
    tpu.enqueue_dma source(%dma_start3A_7 : memref<8x1024xf32, #tpu.memory_space<hbm>>) target(%arg5 : memref<8x1024xf32, #tpu.memory_space<vmem>>) target_semaphore(%arg19 : memref<!tpu.dma_semaphore, #tpu.memory_space<semaphore_mem>>)
    %add3A_8 = arith.constant 8 : i32
    %add3A_9 = arith.addi %mul3A_2, %add3A_8 : i32
    %dma_start3A_10 = arith.constant 0 : i32
    %dma_start3A_11 = tpu.memref_slice %arg3[%add3A_9, %dma_start3A_10] : memref<8192x1024xf32, #tpu.memory_space<hbm>> -> memref<8x1024xf32, #tpu.memory_space<hbm>>
    %dma_start3A_12 = arith.constant 0 : i32
    %dma_start3A_13 = tpu.memref_slice %arg3[%add3A_9, %dma_start3A_12] : memref<8192x1024xf32, #tpu.memory_space<hbm>> -> memref<8x1024xf32, #tpu.memory_space<hbm>>
    tpu.enqueue_dma source(%dma_start3A_13 : memref<8x1024xf32, #tpu.memory_space<hbm>>) target(%arg6 : memref<8x1024xf32, #tpu.memory_space<vmem>>) target_semaphore(%arg20 : memref<!tpu.dma_semaphore, #tpu.memory_space<semaphore_mem>>)
    %add3A_14 = arith.constant 0 : i32
    %add3A_15 = arith.addi %mul3A_2, %add3A_14 : i32
    %dma_start3A_16 = arith.constant 0 : i32
    %dma_start3A_17 = arith.constant 0 : i32
    %dma_start3A_18 = tpu.memref_slice %arg2[%dma_start3A_16, %add3A_15, %dma_start3A_17] : memref<4x8192x1024xf32, #tpu.memory_space<hbm>> -> memref<1x8x1024xf32, #tpu.memory_space<hbm>>
    %dma_start3A_19 = tpu.memref_squeeze %dma_start3A_18 : memref<1x8x1024xf32, #tpu.memory_space<hbm>> -> memref<8x1024xf32, #tpu.memory_space<hbm>>
    %dma_start3A_20 = arith.constant 0 : i32
    %dma_start3A_21 = tpu.memref_slice %arg2[%dma_start3A_16, %add3A_15, %dma_start3A_20] : memref<4x8192x1024xf32, #tpu.memory_space<hbm>> -> memref<1x8x1024xf32, #tpu.memory_space<hbm>>
    %dma_start3A_22 = tpu.memref_squeeze %dma_start3A_21 : memref<1x8x1024xf32, #tpu.memory_space<hbm>> -> memref<8x1024xf32, #tpu.memory_space<hbm>>
    tpu.enqueue_dma source(%dma_start3A_22 : memref<8x1024xf32, #tpu.memory_space<hbm>>) target(%arg7 : memref<8x1024xf32, #tpu.memory_space<vmem>>) target_semaphore(%arg21 : memref<!tpu.dma_semaphore, #tpu.memory_space<semaphore_mem>>)
    %add3A_23 = arith.constant 0 : i32
    %add3A_24 = arith.addi %mul3A_2, %add3A_23 : i32
    %dma_start3A_25 = arith.constant 1 : i32
    %dma_start3A_26 = arith.constant 0 : i32
    %dma_start3A_27 = tpu.memref_slice %arg2[%dma_start3A_25, %add3A_24, %dma_start3A_26] : memref<4x8192x1024xf32, #tpu.memory_space<hbm>> -> memref<1x8x1024xf32, #tpu.memory_space<hbm>>
    %dma_start3A_28 = tpu.memref_squeeze %dma_start3A_27 : memref<1x8x1024xf32, #tpu.memory_space<hbm>> -> memref<8x1024xf32, #tpu.memory_space<hbm>>
    %dma_start3A_29 = arith.constant 0 : i32
    %dma_start3A_30 = tpu.memref_slice %arg2[%dma_start3A_25, %add3A_24, %dma_start3A_29] : memref<4x8192x1024xf32, #tpu.memory_space<hbm>> -> memref<1x8x1024xf32, #tpu.memory_space<hbm>>
    %dma_start3A_31 = tpu.memref_squeeze %dma_start3A_30 : memref<1x8x1024xf32, #tpu.memory_space<hbm>> -> memref<8x1024xf32, #tpu.memory_space<hbm>>
    tpu.enqueue_dma source(%dma_start3A_31 : memref<8x1024xf32, #tpu.memory_space<hbm>>) target(%arg8 : memref<8x1024xf32, #tpu.memory_space<vmem>>) target_semaphore(%arg22 : memref<!tpu.dma_semaphore, #tpu.memory_space<semaphore_mem>>)
    %add3A_32 = arith.constant 0 : i32
    %add3A_33 = arith.addi %mul3A_2, %add3A_32 : i32
    %dma_start3A_34 = arith.constant 2 : i32
    %dma_start3A_35 = arith.constant 0 : i32
    %dma_start3A_36 = tpu.memref_slice %arg2[%dma_start3A_34, %add3A_33, %dma_start3A_35] : memref<4x8192x1024xf32, #tpu.memory_space<hbm>> -> memref<1x8x1024xf32, #tpu.memory_space<hbm>>
    %dma_start3A_37 = tpu.memref_squeeze %dma_start3A_36 : memref<1x8x1024xf32, #tpu.memory_space<hbm>> -> memref<8x1024xf32, #tpu.memory_space<hbm>>
    %dma_start3A_38 = arith.constant 0 : i32
    %dma_start3A_39 = tpu.memref_slice %arg2[%dma_start3A_34, %add3A_33, %dma_start3A_38] : memref<4x8192x1024xf32, #tpu.memory_space<hbm>> -> memref<1x8x1024xf32, #tpu.memory_space<hbm>>
    %dma_start3A_40 = tpu.memref_squeeze %dma_start3A_39 : memref<1x8x1024xf32, #tpu.memory_space<hbm>> -> memref<8x1024xf32, #tpu.memory_space<hbm>>
    tpu.enqueue_dma source(%dma_start3A_40 : memref<8x1024xf32, #tpu.memory_space<hbm>>) target(%arg9 : memref<8x1024xf32, #tpu.memory_space<vmem>>) target_semaphore(%arg23 : memref<!tpu.dma_semaphore, #tpu.memory_space<semaphore_mem>>)
    %add3A_41 = arith.constant 0 : i32
    %add3A_42 = arith.addi %mul3A_2, %add3A_41 : i32
    %dma_start3A_43 = arith.constant 3 : i32
    %dma_start3A_44 = arith.constant 0 : i32
    %dma_start3A_45 = tpu.memref_slice %arg2[%dma_start3A_43, %add3A_42, %dma_start3A_44] : memref<4x8192x1024xf32, #tpu.memory_space<hbm>> -> memref<1x8x1024xf32, #tpu.memory_space<hbm>>
    %dma_start3A_46 = tpu.memref_squeeze %dma_start3A_45 : memref<1x8x1024xf32, #tpu.memory_space<hbm>> -> memref<8x1024xf32, #tpu.memory_space<hbm>>
    %dma_start3A_47 = arith.constant 0 : i32
    %dma_start3A_48 = tpu.memref_slice %arg2[%dma_start3A_43, %add3A_42, %dma_start3A_47] : memref<4x8192x1024xf32, #tpu.memory_space<hbm>> -> memref<1x8x1024xf32, #tpu.memory_space<hbm>>
    %dma_start3A_49 = tpu.memref_squeeze %dma_start3A_48 : memref<1x8x1024xf32, #tpu.memory_space<hbm>> -> memref<8x1024xf32, #tpu.memory_space<hbm>>
    tpu.enqueue_dma source(%dma_start3A_49 : memref<8x1024xf32, #tpu.memory_space<hbm>>) target(%arg10 : memref<8x1024xf32, #tpu.memory_space<vmem>>) target_semaphore(%arg24 : memref<!tpu.dma_semaphore, #tpu.memory_space<semaphore_mem>>)
    %add3A_50 = arith.constant 8 : i32
    %add3A_51 = arith.addi %mul3A_2, %add3A_50 : i32
    %dma_start3A_52 = arith.constant 0 : i32
    %dma_start3A_53 = arith.constant 0 : i32
    %dma_start3A_54 = tpu.memref_slice %arg2[%dma_start3A_52, %add3A_51, %dma_start3A_53] : memref<4x8192x1024xf32, #tpu.memory_space<hbm>> -> memref<1x8x1024xf32, #tpu.memory_space<hbm>>
    %dma_start3A_55 = tpu.memref_squeeze %dma_start3A_54 : memref<1x8x1024xf32, #tpu.memory_space<hbm>> -> memref<8x1024xf32, #tpu.memory_space<hbm>>
    %dma_start3A_56 = arith.constant 0 : i32
    %dma_start3A_57 = tpu.memref_slice %arg2[%dma_start3A_52, %add3A_51, %dma_start3A_56] : memref<4x8192x1024xf32, #tpu.memory_space<hbm>> -> memref<1x8x1024xf32, #tpu.memory_space<hbm>>
    %dma_start3A_58 = tpu.memref_squeeze %dma_start3A_57 : memref<1x8x1024xf32, #tpu.memory_space<hbm>> -> memref<8x1024xf32, #tpu.memory_space<hbm>>
    tpu.enqueue_dma source(%dma_start3A_58 : memref<8x1024xf32, #tpu.memory_space<hbm>>) target(%arg11 : memref<8x1024xf32, #tpu.memory_space<vmem>>) target_semaphore(%arg25 : memref<!tpu.dma_semaphore, #tpu.memory_space<semaphore_mem>>)
    %add3A_59 = arith.constant 8 : i32
    %add3A_60 = arith.addi %mul3A_2, %add3A_59 : i32
    %dma_start3A_61 = arith.constant 1 : i32
    %dma_start3A_62 = arith.constant 0 : i32
    %dma_start3A_63 = tpu.memref_slice %arg2[%dma_start3A_61, %add3A_60, %dma_start3A_62] : memref<4x8192x1024xf32, #tpu.memory_space<hbm>> -> memref<1x8x1024xf32, #tpu.memory_space<hbm>>
    %dma_start3A_64 = tpu.memref_squeeze %dma_start3A_63 : memref<1x8x1024xf32, #tpu.memory_space<hbm>> -> memref<8x1024xf32, #tpu.memory_space<hbm>>
    %dma_start3A_65 = arith.constant 0 : i32
    %dma_start3A_66 = tpu.memref_slice %arg2[%dma_start3A_61, %add3A_60, %dma_start3A_65] : memref<4x8192x1024xf32, #tpu.memory_space<hbm>> -> memref<1x8x1024xf32, #tpu.memory_space<hbm>>
    %dma_start3A_67 = tpu.memref_squeeze %dma_start3A_66 : memref<1x8x1024xf32, #tpu.memory_space<hbm>> -> memref<8x1024xf32, #tpu.memory_space<hbm>>
    tpu.enqueue_dma source(%dma_start3A_67 : memref<8x1024xf32, #tpu.memory_space<hbm>>) target(%arg12 : memref<8x1024xf32, #tpu.memory_space<vmem>>) target_semaphore(%arg26 : memref<!tpu.dma_semaphore, #tpu.memory_space<semaphore_mem>>)
    %add3A_68 = arith.constant 8 : i32
    %add3A_69 = arith.addi %mul3A_2, %add3A_68 : i32
    %dma_start3A_70 = arith.constant 2 : i32
    %dma_start3A_71 = arith.constant 0 : i32
    %dma_start3A_72 = tpu.memref_slice %arg2[%dma_start3A_70, %add3A_69, %dma_start3A_71] : memref<4x8192x1024xf32, #tpu.memory_space<hbm>> -> memref<1x8x1024xf32, #tpu.memory_space<hbm>>
    %dma_start3A_73 = tpu.memref_squeeze %dma_start3A_72 : memref<1x8x1024xf32, #tpu.memory_space<hbm>> -> memref<8x1024xf32, #tpu.memory_space<hbm>>
    %dma_start3A_74 = arith.constant 0 : i32
    %dma_start3A_75 = tpu.memref_slice %arg2[%dma_start3A_70, %add3A_69, %dma_start3A_74] : memref<4x8192x1024xf32, #tpu.memory_space<hbm>> -> memref<1x8x1024xf32, #tpu.memory_space<hbm>>
    %dma_start3A_76 = tpu.memref_squeeze %dma_start3A_75 : memref<1x8x1024xf32, #tpu.memory_space<hbm>> -> memref<8x1024xf32, #tpu.memory_space<hbm>>
    tpu.enqueue_dma source(%dma_start3A_76 : memref<8x1024xf32, #tpu.memory_space<hbm>>) target(%arg13 : memref<8x1024xf32, #tpu.memory_space<vmem>>) target_semaphore(%arg27 : memref<!tpu.dma_semaphore, #tpu.memory_space<semaphore_mem>>)
    %scan3A = arith.constant 0 : i32
    %scan3A_77 = arith.constant 16 : i32
    %scan3A_78 = arith.addi %scan3A, %scan3A_77 : i32
    %scan3A_79 = arith.constant 1 : i32
    scf.for %scan3A_116 = %scan3A to %scan3A_78 step %scan3A_79  : i32 {
      %mul3A_117 = arith.constant 2 : i32
      %mul3A_118 = arith.muli %scan3A_116, %mul3A_117 : i32
      %add3A_119 = arith.constant 0 : i32
      %add3A_120 = arith.addi %add3A_119, %mul3A_118 : i32
      %add3A_121 = arith.constant 0 : i32
      %add3A_122 = arith.addi %add3A_120, %add3A_121 : i32
      %mul3A_123 = arith.constant 4 : i32
      %mul3A_124 = arith.muli %add3A_120, %mul3A_123 : i32
      %add3A_125 = arith.constant 0 : i32
      %add3A_126 = arith.addi %mul3A_124, %add3A_125 : i32
      %add3A_127 = arith.constant 1 : i32
      %add3A_128 = arith.addi %add3A_120, %add3A_127 : i32
      %add3A_129 = arith.constant 8 : i32
      %add3A_130 = arith.addi %add3A_126, %add3A_129 : i32
      %sub3A = arith.constant 1 : i32
      %sub3A_131 = arith.subi %add3A_130, %sub3A : i32
      %lt3A = arith.constant 128 : i32
      %lt3A_132 = arith.cmpi slt, %sub3A_131, %lt3A : i32
      %convert_element_type3A = arith.extui %lt3A_132 : i1 to i32
      %cond3A = arith.constant 0 : i32
      %cond3A_133 = arith.cmpi ne, %convert_element_type3A, %cond3A : i32
      scf.if %cond3A_133 {
        %mul3A_503 = arith.constant 8 : i32
        %mul3A_504 = arith.muli %add3A_128, %mul3A_503 : i32
        %add3A_505 = arith.addi %mul3A_2, %mul3A_504 : i32
        %dma_start3A_506 = arith.constant 3 : i32
        %dma_start3A_507 = arith.constant 0 : i32
        %dma_start3A_508 = tpu.memref_slice %arg2[%dma_start3A_506, %add3A_505, %dma_start3A_507] : memref<4x8192x1024xf32, #tpu.memory_space<hbm>> -> memref<1x8x1024xf32, #tpu.memory_space<hbm>>
        %dma_start3A_509 = tpu.memref_squeeze %dma_start3A_508 : memref<1x8x1024xf32, #tpu.memory_space<hbm>> -> memref<8x1024xf32, #tpu.memory_space<hbm>>
        %dma_start3A_510 = arith.constant 0 : i32
        %dma_start3A_511 = tpu.memref_slice %arg2[%dma_start3A_506, %add3A_505, %dma_start3A_510] : memref<4x8192x1024xf32, #tpu.memory_space<hbm>> -> memref<1x8x1024xf32, #tpu.memory_space<hbm>>
        %dma_start3A_512 = tpu.memref_squeeze %dma_start3A_511 : memref<1x8x1024xf32, #tpu.memory_space<hbm>> -> memref<8x1024xf32, #tpu.memory_space<hbm>>
        tpu.enqueue_dma source(%dma_start3A_512 : memref<8x1024xf32, #tpu.memory_space<hbm>>) target(%arg14 : memref<8x1024xf32, #tpu.memory_space<vmem>>) target_semaphore(%arg28 : memref<!tpu.dma_semaphore, #tpu.memory_space<semaphore_mem>>)
      } else {
      }
      %mul3A_134 = arith.constant 8 : i32
      %mul3A_135 = arith.muli %add3A_122, %mul3A_134 : i32
      %add3A_136 = arith.addi %mul3A_2, %mul3A_135 : i32
      %dma_wait3A_137 = arith.constant 0 : i32
      %dma_wait3A_138 = tpu.memref_slice %arg3[%add3A_136, %dma_wait3A_137] : memref<8192x1024xf32, #tpu.memory_space<hbm>> -> memref<8x1024xf32, #tpu.memory_space<hbm>>
      %dma_wait3A_139 = arith.constant 0 : i32
      %dma_wait3A_140 = tpu.memref_slice %arg3[%add3A_136, %dma_wait3A_139] : memref<8192x1024xf32, #tpu.memory_space<hbm>> -> memref<8x1024xf32, #tpu.memory_space<hbm>>
      tpu.wait_dma2 semaphore(%arg19 : memref<!tpu.dma_semaphore, #tpu.memory_space<semaphore_mem>>) src(%dma_wait3A_140 : memref<8x1024xf32, #tpu.memory_space<hbm>>) dst(%arg5 : memref<8x1024xf32, #tpu.memory_space<vmem>>)
      %mul3A_141 = arith.constant 8 : i32
      %mul3A_142 = arith.muli %add3A_122, %mul3A_141 : i32
      %add3A_143 = arith.addi %mul3A_2, %mul3A_142 : i32
      %dma_wait3A_144 = arith.constant 0 : i32
      %dma_wait3A_145 = arith.constant 0 : i32
      %dma_wait3A_146 = tpu.memref_slice %arg2[%dma_wait3A_144, %add3A_143, %dma_wait3A_145] : memref<4x8192x1024xf32, #tpu.memory_space<hbm>> -> memref<1x8x1024xf32, #tpu.memory_space<hbm>>
      %dma_wait3A_147 = tpu.memref_squeeze %dma_wait3A_146 : memref<1x8x1024xf32, #tpu.memory_space<hbm>> -> memref<8x1024xf32, #tpu.memory_space<hbm>>
      %dma_wait3A_148 = arith.constant 0 : i32
      %dma_wait3A_149 = tpu.memref_slice %arg2[%dma_wait3A_144, %add3A_143, %dma_wait3A_148] : memref<4x8192x1024xf32, #tpu.memory_space<hbm>> -> memref<1x8x1024xf32, #tpu.memory_space<hbm>>
      %dma_wait3A_150 = tpu.memref_squeeze %dma_wait3A_149 : memref<1x8x1024xf32, #tpu.memory_space<hbm>> -> memref<8x1024xf32, #tpu.memory_space<hbm>>
      tpu.wait_dma2 semaphore(%arg21 : memref<!tpu.dma_semaphore, #tpu.memory_space<semaphore_mem>>) src(%dma_wait3A_150 : memref<8x1024xf32, #tpu.memory_space<hbm>>) dst(%arg7 : memref<8x1024xf32, #tpu.memory_space<vmem>>)
      %ge3A = arith.constant 4 : i32
      %ge3A_151 = arith.cmpi sge, %add3A_126, %ge3A : i32
      %convert_element_type3A_152 = arith.extui %ge3A_151 : i1 to i32
      %cond3A_153 = arith.constant 0 : i32
      %cond3A_154 = arith.cmpi ne, %convert_element_type3A_152, %cond3A_153 : i32
      scf.if %cond3A_154 {
        %mul3A_503 = arith.constant 8 : i32
        %mul3A_504 = arith.muli %add3A_122, %mul3A_503 : i32
        %add3A_505 = arith.addi %mul3A_2, %mul3A_504 : i32
        %dma_wait3A_506 = arith.constant 0 : i32
        %dma_wait3A_507 = arith.constant 0 : i32
        %dma_wait3A_508 = tpu.memref_slice %arg4[%dma_wait3A_506, %add3A_505, %dma_wait3A_507] : memref<4x8192x1024xf32, #tpu.memory_space<hbm>> -> memref<1x8x1024xf32, #tpu.memory_space<hbm>>
        %dma_wait3A_509 = tpu.memref_squeeze %dma_wait3A_508 : memref<1x8x1024xf32, #tpu.memory_space<hbm>> -> memref<8x1024xf32, #tpu.memory_space<hbm>>
        %dma_wait3A_510 = arith.constant 0 : i32
        %dma_wait3A_511 = tpu.memref_slice %arg4[%dma_wait3A_506, %add3A_505, %dma_wait3A_510] : memref<4x8192x1024xf32, #tpu.memory_space<hbm>> -> memref<1x8x1024xf32, #tpu.memory_space<hbm>>
        %dma_wait3A_512 = tpu.memref_squeeze %dma_wait3A_511 : memref<1x8x1024xf32, #tpu.memory_space<hbm>> -> memref<8x1024xf32, #tpu.memory_space<hbm>>
        tpu.wait_dma2 semaphore(%arg29 : memref<!tpu.dma_semaphore, #tpu.memory_space<semaphore_mem>>) src(%arg15 : memref<8x1024xf32, #tpu.memory_space<vmem>>) dst(%dma_wait3A_512 : memref<8x1024xf32, #tpu.memory_space<hbm>>)
      } else {
      }
      %parallel_loop3A = arith.constant 0 : i32
      %parallel_loop3A_155 = arith.constant 512 : i32
      %parallel_loop3A_156 = arith.constant 1 : i32
      scf.for %parallel_loop3A_503 = %parallel_loop3A to %parallel_loop3A_155 step %parallel_loop3A_156  : i32 {
        %parallel_loop3A_504 = arith.constant 64 : i32
        %parallel_loop3A_505 = arith.divsi %parallel_loop3A_503, %parallel_loop3A_504 : i32
        %parallel_loop3A_506 = arith.constant 0 : i32
        %parallel_loop3A_507 = arith.cmpi sgt, %parallel_loop3A_503, %parallel_loop3A_506 : i32
        %parallel_loop3A_508 = arith.extui %parallel_loop3A_507 : i1 to i32
        %parallel_loop3A_509 = arith.constant 0 : i32
        %parallel_loop3A_510 = arith.cmpi slt, %parallel_loop3A_503, %parallel_loop3A_509 : i32
        %parallel_loop3A_511 = arith.extui %parallel_loop3A_510 : i1 to i32
        %parallel_loop3A_512 = arith.subi %parallel_loop3A_508, %parallel_loop3A_511 : i32
        %parallel_loop3A_513 = arith.constant 0 : i32
        %parallel_loop3A_514 = arith.cmpi sgt, %parallel_loop3A_504, %parallel_loop3A_513 : i32
        %parallel_loop3A_515 = arith.extui %parallel_loop3A_514 : i1 to i32
        %parallel_loop3A_516 = arith.constant 0 : i32
        %parallel_loop3A_517 = arith.cmpi slt, %parallel_loop3A_504, %parallel_loop3A_516 : i32
        %parallel_loop3A_518 = arith.extui %parallel_loop3A_517 : i1 to i32
        %parallel_loop3A_519 = arith.subi %parallel_loop3A_515, %parallel_loop3A_518 : i32
        %parallel_loop3A_520 = arith.cmpi ne, %parallel_loop3A_512, %parallel_loop3A_519 : i32
        %parallel_loop3A_521 = arith.remsi %parallel_loop3A_503, %parallel_loop3A_504 : i32
        %parallel_loop3A_522 = arith.constant 0 : i32
        %parallel_loop3A_523 = arith.cmpi ne, %parallel_loop3A_521, %parallel_loop3A_522 : i32
        %parallel_loop3A_524 = arith.andi %parallel_loop3A_520, %parallel_loop3A_523 : i1
        %parallel_loop3A_525 = arith.constant 1 : i32
        %parallel_loop3A_526 = arith.subi %parallel_loop3A_505, %parallel_loop3A_525 : i32
        %parallel_loop3A_527 = arith.select %parallel_loop3A_524, %parallel_loop3A_526, %parallel_loop3A_505 : i32
        %parallel_loop3A_528 = arith.constant 64 : i32
        %parallel_loop3A_529 = arith.constant 0 : i32
        %parallel_loop3A_530 = arith.cmpi eq, %parallel_loop3A_528, %parallel_loop3A_529 : i32
        %parallel_loop3A_531 = arith.constant 1 : i32
        %parallel_loop3A_532 = arith.select %parallel_loop3A_530, %parallel_loop3A_531, %parallel_loop3A_528 : i32
        %parallel_loop3A_533 = arith.remsi %parallel_loop3A_503, %parallel_loop3A_532 : i32
        %parallel_loop3A_534 = arith.constant 0 : i32
        %parallel_loop3A_535 = arith.cmpi ne, %parallel_loop3A_533, %parallel_loop3A_534 : i32
        %parallel_loop3A_536 = arith.constant 0 : i32
        %parallel_loop3A_537 = arith.cmpi slt, %parallel_loop3A_533, %parallel_loop3A_536 : i32
        %parallel_loop3A_538 = arith.constant 0 : i32
        %parallel_loop3A_539 = arith.cmpi slt, %parallel_loop3A_532, %parallel_loop3A_538 : i32
        %parallel_loop3A_540 = arith.xori %parallel_loop3A_537, %parallel_loop3A_539 : i1
        %parallel_loop3A_541 = arith.andi %parallel_loop3A_540, %parallel_loop3A_535 : i1
        %parallel_loop3A_542 = arith.addi %parallel_loop3A_533, %parallel_loop3A_532 : i32
        %parallel_loop3A_543 = arith.select %parallel_loop3A_541, %parallel_loop3A_542, %parallel_loop3A_533 : i32
        %parallel_loop3A_544 = arith.constant 16 : i32
        %parallel_loop3A_545 = arith.muli %parallel_loop3A_543, %parallel_loop3A_544 : i32
        %parallel_loop3A_546 = arith.index_cast %parallel_loop3A_527 : i32 to index
        %parallel_loop3A_547 = arith.index_cast %parallel_loop3A_545 : i32 to index
        %parallel_loop3A_548 = tpu.vector_load %arg7[%parallel_loop3A_546, %parallel_loop3A_547] {strides = array<i32>} : memref<8x1024xf32, #tpu.memory_space<vmem>>, vector<1x16xf32>,
        %parallel_loop3A_549 = vector.shape_cast %parallel_loop3A_548 : vector<1x16xf32> to vector<16xf32>
        %parallel_loop3A_550 = arith.index_cast %parallel_loop3A_527 : i32 to index
        %parallel_loop3A_551 = arith.index_cast %parallel_loop3A_545 : i32 to index
        %parallel_loop3A_552 = tpu.vector_load %arg5[%parallel_loop3A_550, %parallel_loop3A_551] {strides = array<i32>} : memref<8x1024xf32, #tpu.memory_space<vmem>>, vector<1x16xf32>,
        %parallel_loop3A_553 = vector.shape_cast %parallel_loop3A_552 : vector<1x16xf32> to vector<16xf32>
        %parallel_loop3A_554 = arith.addf %parallel_loop3A_549, %parallel_loop3A_553 : vector<16xf32>
        %parallel_loop3A_555 = arith.index_cast %parallel_loop3A_527 : i32 to index
        %parallel_loop3A_556 = arith.index_cast %parallel_loop3A_545 : i32 to index
        %parallel_loop3A_557 = tpu.vector_load %arg15[%parallel_loop3A_555, %parallel_loop3A_556] {strides = array<i32>} : memref<8x1024xf32, #tpu.memory_space<vmem>>, vector<1x16xf32>,
        %parallel_loop3A_558 = vector.shape_cast %parallel_loop3A_557 : vector<1x16xf32> to vector<16xf32>
        %parallel_loop3A_559 = vector.shape_cast %parallel_loop3A_554 : vector<16xf32> to vector<1x16xf32>
        tpu.vector_store %arg15[%parallel_loop3A_555, %parallel_loop3A_556], %parallel_loop3A_559 {strides = array<i32>} : memref<8x1024xf32, #tpu.memory_space<vmem>>, vector<1x16xf32>,
      } {sc.loop_unroll_factor = 8 : i64, sc.parallel_access}
      %mul3A_157 = arith.constant 8 : i32
      %mul3A_158 = arith.muli %add3A_122, %mul3A_157 : i32
      %add3A_159 = arith.addi %mul3A_2, %mul3A_158 : i32
      %dma_start3A_160 = arith.constant 0 : i32
      %dma_start3A_161 = arith.constant 0 : i32
      %dma_start3A_162 = tpu.memref_slice %arg4[%dma_start3A_160, %add3A_159, %dma_start3A_161] : memref<4x8192x1024xf32, #tpu.memory_space<hbm>> -> memref<1x8x1024xf32, #tpu.memory_space<hbm>>
      %dma_start3A_163 = tpu.memref_squeeze %dma_start3A_162 : memref<1x8x1024xf32, #tpu.memory_space<hbm>> -> memref<8x1024xf32, #tpu.memory_space<hbm>>
      %dma_start3A_164 = arith.constant 0 : i32
      %dma_start3A_165 = tpu.memref_slice %arg4[%dma_start3A_160, %add3A_159, %dma_start3A_164] : memref<4x8192x1024xf32, #tpu.memory_space<hbm>> -> memref<1x8x1024xf32, #tpu.memory_space<hbm>>
      %dma_start3A_166 = tpu.memref_squeeze %dma_start3A_165 : memref<1x8x1024xf32, #tpu.memory_space<hbm>> -> memref<8x1024xf32, #tpu.memory_space<hbm>>
      tpu.enqueue_dma source(%arg15 : memref<8x1024xf32, #tpu.memory_space<vmem>>) target(%dma_start3A_166 : memref<8x1024xf32, #tpu.memory_space<hbm>>) target_semaphore(%arg29 : memref<!tpu.dma_semaphore, #tpu.memory_space<semaphore_mem>>)
      %add3A_167 = arith.constant 0 : i32
      %add3A_168 = arith.addi %add3A_120, %add3A_167 : i32
      %mul3A_169 = arith.constant 4 : i32
      %mul3A_170 = arith.muli %add3A_120, %mul3A_169 : i32
      %add3A_171 = arith.constant 1 : i32
      %add3A_172 = arith.addi %mul3A_170, %add3A_171 : i32
      %add3A_173 = arith.constant 2 : i32
      %add3A_174 = arith.addi %add3A_120, %add3A_173 : i32
      %add3A_175 = arith.constant 8 : i32
      %add3A_176 = arith.addi %add3A_172, %add3A_175 : i32
      %sub3A_177 = arith.constant 1 : i32
      %sub3A_178 = arith.subi %add3A_176, %sub3A_177 : i32
      %lt3A_179 = arith.constant 128 : i32
      %lt3A_180 = arith.cmpi slt, %sub3A_178, %lt3A_179 : i32
      %convert_element_type3A_181 = arith.extui %lt3A_180 : i1 to i32
      %cond3A_182 = arith.constant 0 : i32
      %cond3A_183 = arith.cmpi ne, %convert_element_type3A_181, %cond3A_182 : i32
      scf.if %cond3A_183 {
        %mul3A_503 = arith.constant 8 : i32
        %mul3A_504 = arith.muli %add3A_174, %mul3A_503 : i32
        %add3A_505 = arith.addi %mul3A_2, %mul3A_504 : i32
        %dma_start3A_506 = arith.constant 0 : i32
        %dma_start3A_507 = arith.constant 0 : i32
        %dma_start3A_508 = tpu.memref_slice %arg2[%dma_start3A_506, %add3A_505, %dma_start3A_507] : memref<4x8192x1024xf32, #tpu.memory_space<hbm>> -> memref<1x8x1024xf32, #tpu.memory_space<hbm>>
        %dma_start3A_509 = tpu.memref_squeeze %dma_start3A_508 : memref<1x8x1024xf32, #tpu.memory_space<hbm>> -> memref<8x1024xf32, #tpu.memory_space<hbm>>
        %dma_start3A_510 = arith.constant 0 : i32
        %dma_start3A_511 = tpu.memref_slice %arg2[%dma_start3A_506, %add3A_505, %dma_start3A_510] : memref<4x8192x1024xf32, #tpu.memory_space<hbm>> -> memref<1x8x1024xf32, #tpu.memory_space<hbm>>
        %dma_start3A_512 = tpu.memref_squeeze %dma_start3A_511 : memref<1x8x1024xf32, #tpu.memory_space<hbm>> -> memref<8x1024xf32, #tpu.memory_space<hbm>>
        tpu.enqueue_dma source(%dma_start3A_512 : memref<8x1024xf32, #tpu.memory_space<hbm>>) target(%arg7 : memref<8x1024xf32, #tpu.memory_space<vmem>>) target_semaphore(%arg21 : memref<!tpu.dma_semaphore, #tpu.memory_space<semaphore_mem>>)
      } else {
      }
      %mul3A_184 = arith.constant 8 : i32
      %mul3A_185 = arith.muli %add3A_168, %mul3A_184 : i32
      %add3A_186 = arith.addi %mul3A_2, %mul3A_185 : i32
      %dma_wait3A_187 = arith.constant 1 : i32
      %dma_wait3A_188 = arith.constant 0 : i32
      %dma_wait3A_189 = tpu.memref_slice %arg2[%dma_wait3A_187, %add3A_186, %dma_wait3A_188] : memref<4x8192x1024xf32, #tpu.memory_space<hbm>> -> memref<1x8x1024xf32, #tpu.memory_space<hbm>>
      %dma_wait3A_190 = tpu.memref_squeeze %dma_wait3A_189 : memref<1x8x1024xf32, #tpu.memory_space<hbm>> -> memref<8x1024xf32, #tpu.memory_space<hbm>>
      %dma_wait3A_191 = arith.constant 0 : i32
      %dma_wait3A_192 = tpu.memref_slice %arg2[%dma_wait3A_187, %add3A_186, %dma_wait3A_191] : memref<4x8192x1024xf32, #tpu.memory_space<hbm>> -> memref<1x8x1024xf32, #tpu.memory_space<hbm>>
      %dma_wait3A_193 = tpu.memref_squeeze %dma_wait3A_192 : memref<1x8x1024xf32, #tpu.memory_space<hbm>> -> memref<8x1024xf32, #tpu.memory_space<hbm>>
      tpu.wait_dma2 semaphore(%arg22 : memref<!tpu.dma_semaphore, #tpu.memory_space<semaphore_mem>>) src(%dma_wait3A_193 : memref<8x1024xf32, #tpu.memory_space<hbm>>) dst(%arg8 : memref<8x1024xf32, #tpu.memory_space<vmem>>)
      %ge3A_194 = arith.constant 4 : i32
      %ge3A_195 = arith.cmpi sge, %add3A_172, %ge3A_194 : i32
      %convert_element_type3A_196 = arith.extui %ge3A_195 : i1 to i32
      %cond3A_197 = arith.constant 0 : i32
      %cond3A_198 = arith.cmpi ne, %convert_element_type3A_196, %cond3A_197 : i32
      scf.if %cond3A_198 {
        %mul3A_503 = arith.constant 8 : i32
        %mul3A_504 = arith.muli %add3A_168, %mul3A_503 : i32
        %add3A_505 = arith.addi %mul3A_2, %mul3A_504 : i32
        %dma_wait3A_506 = arith.constant 1 : i32
        %dma_wait3A_507 = arith.constant 0 : i32
        %dma_wait3A_508 = tpu.memref_slice %arg4[%dma_wait3A_506, %add3A_505, %dma_wait3A_507] : memref<4x8192x1024xf32, #tpu.memory_space<hbm>> -> memref<1x8x1024xf32, #tpu.memory_space<hbm>>
        %dma_wait3A_509 = tpu.memref_squeeze %dma_wait3A_508 : memref<1x8x1024xf32, #tpu.memory_space<hbm>> -> memref<8x1024xf32, #tpu.memory_space<hbm>>
        %dma_wait3A_510 = arith.constant 0 : i32
        %dma_wait3A_511 = tpu.memref_slice %arg4[%dma_wait3A_506, %add3A_505, %dma_wait3A_510] : memref<4x8192x1024xf32, #tpu.memory_space<hbm>> -> memref<1x8x1024xf32, #tpu.memory_space<hbm>>
        %dma_wait3A_512 = tpu.memref_squeeze %dma_wait3A_511 : memref<1x8x1024xf32, #tpu.memory_space<hbm>> -> memref<8x1024xf32, #tpu.memory_space<hbm>>
        tpu.wait_dma2 semaphore(%arg30 : memref<!tpu.dma_semaphore, #tpu.memory_space<semaphore_mem>>) src(%arg16 : memref<8x1024xf32, #tpu.memory_space<vmem>>) dst(%dma_wait3A_512 : memref<8x1024xf32, #tpu.memory_space<hbm>>)
      } else {
      }
      %parallel_loop3A_199 = arith.constant 0 : i32
      %parallel_loop3A_200 = arith.constant 512 : i32
      %parallel_loop3A_201 = arith.constant 1 : i32
      scf.for %parallel_loop3A_503 = %parallel_loop3A_199 to %parallel_loop3A_200 step %parallel_loop3A_201  : i32 {
        %parallel_loop3A_504 = arith.constant 64 : i32
        %parallel_loop3A_505 = arith.divsi %parallel_loop3A_503, %parallel_loop3A_504 : i32
        %parallel_loop3A_506 = arith.constant 0 : i32
        %parallel_loop3A_507 = arith.cmpi sgt, %parallel_loop3A_503, %parallel_loop3A_506 : i32
        %parallel_loop3A_508 = arith.extui %parallel_loop3A_507 : i1 to i32
        %parallel_loop3A_509 = arith.constant 0 : i32
        %parallel_loop3A_510 = arith.cmpi slt, %parallel_loop3A_503, %parallel_loop3A_509 : i32
        %parallel_loop3A_511 = arith.extui %parallel_loop3A_510 : i1 to i32
        %parallel_loop3A_512 = arith.subi %parallel_loop3A_508, %parallel_loop3A_511 : i32
        %parallel_loop3A_513 = arith.constant 0 : i32
        %parallel_loop3A_514 = arith.cmpi sgt, %parallel_loop3A_504, %parallel_loop3A_513 : i32
        %parallel_loop3A_515 = arith.extui %parallel_loop3A_514 : i1 to i32
        %parallel_loop3A_516 = arith.constant 0 : i32
        %parallel_loop3A_517 = arith.cmpi slt, %parallel_loop3A_504, %parallel_loop3A_516 : i32
        %parallel_loop3A_518 = arith.extui %parallel_loop3A_517 : i1 to i32
        %parallel_loop3A_519 = arith.subi %parallel_loop3A_515, %parallel_loop3A_518 : i32
        %parallel_loop3A_520 = arith.cmpi ne, %parallel_loop3A_512, %parallel_loop3A_519 : i32
        %parallel_loop3A_521 = arith.remsi %parallel_loop3A_503, %parallel_loop3A_504 : i32
        %parallel_loop3A_522 = arith.constant 0 : i32
        %parallel_loop3A_523 = arith.cmpi ne, %parallel_loop3A_521, %parallel_loop3A_522 : i32
        %parallel_loop3A_524 = arith.andi %parallel_loop3A_520, %parallel_loop3A_523 : i1
        %parallel_loop3A_525 = arith.constant 1 : i32
        %parallel_loop3A_526 = arith.subi %parallel_loop3A_505, %parallel_loop3A_525 : i32
        %parallel_loop3A_527 = arith.select %parallel_loop3A_524, %parallel_loop3A_526, %parallel_loop3A_505 : i32
        %parallel_loop3A_528 = arith.constant 64 : i32
        %parallel_loop3A_529 = arith.constant 0 : i32
        %parallel_loop3A_530 = arith.cmpi eq, %parallel_loop3A_528, %parallel_loop3A_529 : i32
        %parallel_loop3A_531 = arith.constant 1 : i32
        %parallel_loop3A_532 = arith.select %parallel_loop3A_530, %parallel_loop3A_531, %parallel_loop3A_528 : i32
        %parallel_loop3A_533 = arith.remsi %parallel_loop3A_503, %parallel_loop3A_532 : i32
        %parallel_loop3A_534 = arith.constant 0 : i32
        %parallel_loop3A_535 = arith.cmpi ne, %parallel_loop3A_533, %parallel_loop3A_534 : i32
        %parallel_loop3A_536 = arith.constant 0 : i32
        %parallel_loop3A_537 = arith.cmpi slt, %parallel_loop3A_533, %parallel_loop3A_536 : i32
        %parallel_loop3A_538 = arith.constant 0 : i32
        %parallel_loop3A_539 = arith.cmpi slt, %parallel_loop3A_532, %parallel_loop3A_538 : i32
        %parallel_loop3A_540 = arith.xori %parallel_loop3A_537, %parallel_loop3A_539 : i1
        %parallel_loop3A_541 = arith.andi %parallel_loop3A_540, %parallel_loop3A_535 : i1
        %parallel_loop3A_542 = arith.addi %parallel_loop3A_533, %parallel_loop3A_532 : i32
        %parallel_loop3A_543 = arith.select %parallel_loop3A_541, %parallel_loop3A_542, %parallel_loop3A_533 : i32
        %parallel_loop3A_544 = arith.constant 16 : i32
        %parallel_loop3A_545 = arith.muli %parallel_loop3A_543, %parallel_loop3A_544 : i32
        %parallel_loop3A_546 = arith.index_cast %parallel_loop3A_527 : i32 to index
        %parallel_loop3A_547 = arith.index_cast %parallel_loop3A_545 : i32 to index
        %parallel_loop3A_548 = tpu.vector_load %arg8[%parallel_loop3A_546, %parallel_loop3A_547] {strides = array<i32>} : memref<8x1024xf32, #tpu.memory_space<vmem>>, vector<1x16xf32>,
        %parallel_loop3A_549 = vector.shape_cast %parallel_loop3A_548 : vector<1x16xf32> to vector<16xf32>
        %parallel_loop3A_550 = arith.index_cast %parallel_loop3A_527 : i32 to index
        %parallel_loop3A_551 = arith.index_cast %parallel_loop3A_545 : i32 to index
        %parallel_loop3A_552 = tpu.vector_load %arg5[%parallel_loop3A_550, %parallel_loop3A_551] {strides = array<i32>} : memref<8x1024xf32, #tpu.memory_space<vmem>>, vector<1x16xf32>,
        %parallel_loop3A_553 = vector.shape_cast %parallel_loop3A_552 : vector<1x16xf32> to vector<16xf32>
        %parallel_loop3A_554 = arith.addf %parallel_loop3A_549, %parallel_loop3A_553 : vector<16xf32>
        %parallel_loop3A_555 = arith.index_cast %parallel_loop3A_527 : i32 to index
        %parallel_loop3A_556 = arith.index_cast %parallel_loop3A_545 : i32 to index
        %parallel_loop3A_557 = tpu.vector_load %arg16[%parallel_loop3A_555, %parallel_loop3A_556] {strides = array<i32>} : memref<8x1024xf32, #tpu.memory_space<vmem>>, vector<1x16xf32>,
        %parallel_loop3A_558 = vector.shape_cast %parallel_loop3A_557 : vector<1x16xf32> to vector<16xf32>
        %parallel_loop3A_559 = vector.shape_cast %parallel_loop3A_554 : vector<16xf32> to vector<1x16xf32>
        tpu.vector_store %arg16[%parallel_loop3A_555, %parallel_loop3A_556], %parallel_loop3A_559 {strides = array<i32>} : memref<8x1024xf32, #tpu.memory_space<vmem>>, vector<1x16xf32>,
      } {sc.loop_unroll_factor = 8 : i64, sc.parallel_access}
      %mul3A_202 = arith.constant 8 : i32
      %mul3A_203 = arith.muli %add3A_168, %mul3A_202 : i32
      %add3A_204 = arith.addi %mul3A_2, %mul3A_203 : i32
      %dma_start3A_205 = arith.constant 1 : i32
      %dma_start3A_206 = arith.constant 0 : i32
      %dma_start3A_207 = tpu.memref_slice %arg4[%dma_start3A_205, %add3A_204, %dma_start3A_206] : memref<4x8192x1024xf32, #tpu.memory_space<hbm>> -> memref<1x8x1024xf32, #tpu.memory_space<hbm>>
      %dma_start3A_208 = tpu.memref_squeeze %dma_start3A_207 : memref<1x8x1024xf32, #tpu.memory_space<hbm>> -> memref<8x1024xf32, #tpu.memory_space<hbm>>
      %dma_start3A_209 = arith.constant 0 : i32
      %dma_start3A_210 = tpu.memref_slice %arg4[%dma_start3A_205, %add3A_204, %dma_start3A_209] : memref<4x8192x1024xf32, #tpu.memory_space<hbm>> -> memref<1x8x1024xf32, #tpu.memory_space<hbm>>
      %dma_start3A_211 = tpu.memref_squeeze %dma_start3A_210 : memref<1x8x1024xf32, #tpu.memory_space<hbm>> -> memref<8x1024xf32, #tpu.memory_space<hbm>>
      tpu.enqueue_dma source(%arg16 : memref<8x1024xf32, #tpu.memory_space<vmem>>) target(%dma_start3A_211 : memref<8x1024xf32, #tpu.memory_space<hbm>>) target_semaphore(%arg30 : memref<!tpu.dma_semaphore, #tpu.memory_space<semaphore_mem>>)
      %add3A_212 = arith.constant 0 : i32
      %add3A_213 = arith.addi %add3A_120, %add3A_212 : i32
      %mul3A_214 = arith.constant 4 : i32
      %mul3A_215 = arith.muli %add3A_120, %mul3A_214 : i32
      %add3A_216 = arith.constant 2 : i32
      %add3A_217 = arith.addi %mul3A_215, %add3A_216 : i32
      %add3A_218 = arith.constant 2 : i32
      %add3A_219 = arith.addi %add3A_120, %add3A_218 : i32
      %add3A_220 = arith.constant 8 : i32
      %add3A_221 = arith.addi %add3A_217, %add3A_220 : i32
      %sub3A_222 = arith.constant 1 : i32
      %sub3A_223 = arith.subi %add3A_221, %sub3A_222 : i32
      %lt3A_224 = arith.constant 128 : i32
      %lt3A_225 = arith.cmpi slt, %sub3A_223, %lt3A_224 : i32
      %convert_element_type3A_226 = arith.extui %lt3A_225 : i1 to i32
      %cond3A_227 = arith.constant 0 : i32
      %cond3A_228 = arith.cmpi ne, %convert_element_type3A_226, %cond3A_227 : i32
      scf.if %cond3A_228 {
        %mul3A_503 = arith.constant 8 : i32
        %mul3A_504 = arith.muli %add3A_219, %mul3A_503 : i32
        %add3A_505 = arith.addi %mul3A_2, %mul3A_504 : i32
        %dma_start3A_506 = arith.constant 1 : i32
        %dma_start3A_507 = arith.constant 0 : i32
        %dma_start3A_508 = tpu.memref_slice %arg2[%dma_start3A_506, %add3A_505, %dma_start3A_507] : memref<4x8192x1024xf32, #tpu.memory_space<hbm>> -> memref<1x8x1024xf32, #tpu.memory_space<hbm>>
        %dma_start3A_509 = tpu.memref_squeeze %dma_start3A_508 : memref<1x8x1024xf32, #tpu.memory_space<hbm>> -> memref<8x1024xf32, #tpu.memory_space<hbm>>
        %dma_start3A_510 = arith.constant 0 : i32
        %dma_start3A_511 = tpu.memref_slice %arg2[%dma_start3A_506, %add3A_505, %dma_start3A_510] : memref<4x8192x1024xf32, #tpu.memory_space<hbm>> -> memref<1x8x1024xf32, #tpu.memory_space<hbm>>
        %dma_start3A_512 = tpu.memref_squeeze %dma_start3A_511 : memref<1x8x1024xf32, #tpu.memory_space<hbm>> -> memref<8x1024xf32, #tpu.memory_space<hbm>>
        tpu.enqueue_dma source(%dma_start3A_512 : memref<8x1024xf32, #tpu.memory_space<hbm>>) target(%arg8 : memref<8x1024xf32, #tpu.memory_space<vmem>>) target_semaphore(%arg22 : memref<!tpu.dma_semaphore, #tpu.memory_space<semaphore_mem>>)
      } else {
      }
      %mul3A_229 = arith.constant 8 : i32
      %mul3A_230 = arith.muli %add3A_213, %mul3A_229 : i32
      %add3A_231 = arith.addi %mul3A_2, %mul3A_230 : i32
      %dma_wait3A_232 = arith.constant 2 : i32
      %dma_wait3A_233 = arith.constant 0 : i32
      %dma_wait3A_234 = tpu.memref_slice %arg2[%dma_wait3A_232, %add3A_231, %dma_wait3A_233] : memref<4x8192x1024xf32, #tpu.memory_space<hbm>> -> memref<1x8x1024xf32, #tpu.memory_space<hbm>>
      %dma_wait3A_235 = tpu.memref_squeeze %dma_wait3A_234 : memref<1x8x1024xf32, #tpu.memory_space<hbm>> -> memref<8x1024xf32, #tpu.memory_space<hbm>>
      %dma_wait3A_236 = arith.constant 0 : i32
      %dma_wait3A_237 = tpu.memref_slice %arg2[%dma_wait3A_232, %add3A_231, %dma_wait3A_236] : memref<4x8192x1024xf32, #tpu.memory_space<hbm>> -> memref<1x8x1024xf32, #tpu.memory_space<hbm>>
      %dma_wait3A_238 = tpu.memref_squeeze %dma_wait3A_237 : memref<1x8x1024xf32, #tpu.memory_space<hbm>> -> memref<8x1024xf32, #tpu.memory_space<hbm>>
      tpu.wait_dma2 semaphore(%arg23 : memref<!tpu.dma_semaphore, #tpu.memory_space<semaphore_mem>>) src(%dma_wait3A_238 : memref<8x1024xf32, #tpu.memory_space<hbm>>) dst(%arg9 : memref<8x1024xf32, #tpu.memory_space<vmem>>)
      %ge3A_239 = arith.constant 4 : i32
      %ge3A_240 = arith.cmpi sge, %add3A_217, %ge3A_239 : i32
      %convert_element_type3A_241 = arith.extui %ge3A_240 : i1 to i32
      %cond3A_242 = arith.constant 0 : i32
      %cond3A_243 = arith.cmpi ne, %convert_element_type3A_241, %cond3A_242 : i32
      scf.if %cond3A_243 {
        %mul3A_503 = arith.constant 8 : i32
        %mul3A_504 = arith.muli %add3A_213, %mul3A_503 : i32
        %add3A_505 = arith.addi %mul3A_2, %mul3A_504 : i32
        %dma_wait3A_506 = arith.constant 2 : i32
        %dma_wait3A_507 = arith.constant 0 : i32
        %dma_wait3A_508 = tpu.memref_slice %arg4[%dma_wait3A_506, %add3A_505, %dma_wait3A_507] : memref<4x8192x1024xf32, #tpu.memory_space<hbm>> -> memref<1x8x1024xf32, #tpu.memory_space<hbm>>
        %dma_wait3A_509 = tpu.memref_squeeze %dma_wait3A_508 : memref<1x8x1024xf32, #tpu.memory_space<hbm>> -> memref<8x1024xf32, #tpu.memory_space<hbm>>
        %dma_wait3A_510 = arith.constant 0 : i32
        %dma_wait3A_511 = tpu.memref_slice %arg4[%dma_wait3A_506, %add3A_505, %dma_wait3A_510] : memref<4x8192x1024xf32, #tpu.memory_space<hbm>> -> memref<1x8x1024xf32, #tpu.memory_space<hbm>>
        %dma_wait3A_512 = tpu.memref_squeeze %dma_wait3A_511 : memref<1x8x1024xf32, #tpu.memory_space<hbm>> -> memref<8x1024xf32, #tpu.memory_space<hbm>>
        tpu.wait_dma2 semaphore(%arg31 : memref<!tpu.dma_semaphore, #tpu.memory_space<semaphore_mem>>) src(%arg17 : memref<8x1024xf32, #tpu.memory_space<vmem>>) dst(%dma_wait3A_512 : memref<8x1024xf32, #tpu.memory_space<hbm>>)
      } else {
      }
      %parallel_loop3A_244 = arith.constant 0 : i32
      %parallel_loop3A_245 = arith.constant 512 : i32
      %parallel_loop3A_246 = arith.constant 1 : i32
      scf.for %parallel_loop3A_503 = %parallel_loop3A_244 to %parallel_loop3A_245 step %parallel_loop3A_246  : i32 {
        %parallel_loop3A_504 = arith.constant 64 : i32
        %parallel_loop3A_505 = arith.divsi %parallel_loop3A_503, %parallel_loop3A_504 : i32
        %parallel_loop3A_506 = arith.constant 0 : i32
        %parallel_loop3A_507 = arith.cmpi sgt, %parallel_loop3A_503, %parallel_loop3A_506 : i32
        %parallel_loop3A_508 = arith.extui %parallel_loop3A_507 : i1 to i32
        %parallel_loop3A_509 = arith.constant 0 : i32
        %parallel_loop3A_510 = arith.cmpi slt, %parallel_loop3A_503, %parallel_loop3A_509 : i32
        %parallel_loop3A_511 = arith.extui %parallel_loop3A_510 : i1 to i32
        %parallel_loop3A_512 = arith.subi %parallel_loop3A_508, %parallel_loop3A_511 : i32
        %parallel_loop3A_513 = arith.constant 0 : i32
        %parallel_loop3A_514 = arith.cmpi sgt, %parallel_loop3A_504, %parallel_loop3A_513 : i32
        %parallel_loop3A_515 = arith.extui %parallel_loop3A_514 : i1 to i32
        %parallel_loop3A_516 = arith.constant 0 : i32
        %parallel_loop3A_517 = arith.cmpi slt, %parallel_loop3A_504, %parallel_loop3A_516 : i32
        %parallel_loop3A_518 = arith.extui %parallel_loop3A_517 : i1 to i32
        %parallel_loop3A_519 = arith.subi %parallel_loop3A_515, %parallel_loop3A_518 : i32
        %parallel_loop3A_520 = arith.cmpi ne, %parallel_loop3A_512, %parallel_loop3A_519 : i32
        %parallel_loop3A_521 = arith.remsi %parallel_loop3A_503, %parallel_loop3A_504 : i32
        %parallel_loop3A_522 = arith.constant 0 : i32
        %parallel_loop3A_523 = arith.cmpi ne, %parallel_loop3A_521, %parallel_loop3A_522 : i32
        %parallel_loop3A_524 = arith.andi %parallel_loop3A_520, %parallel_loop3A_523 : i1
        %parallel_loop3A_525 = arith.constant 1 : i32
        %parallel_loop3A_526 = arith.subi %parallel_loop3A_505, %parallel_loop3A_525 : i32
        %parallel_loop3A_527 = arith.select %parallel_loop3A_524, %parallel_loop3A_526, %parallel_loop3A_505 : i32
        %parallel_loop3A_528 = arith.constant 64 : i32
        %parallel_loop3A_529 = arith.constant 0 : i32
        %parallel_loop3A_530 = arith.cmpi eq, %parallel_loop3A_528, %parallel_loop3A_529 : i32
        %parallel_loop3A_531 = arith.constant 1 : i32
        %parallel_loop3A_532 = arith.select %parallel_loop3A_530, %parallel_loop3A_531, %parallel_loop3A_528 : i32
        %parallel_loop3A_533 = arith.remsi %parallel_loop3A_503, %parallel_loop3A_532 : i32
        %parallel_loop3A_534 = arith.constant 0 : i32
        %parallel_loop3A_535 = arith.cmpi ne, %parallel_loop3A_533, %parallel_loop3A_534 : i32
        %parallel_loop3A_536 = arith.constant 0 : i32
        %parallel_loop3A_537 = arith.cmpi slt, %parallel_loop3A_533, %parallel_loop3A_536 : i32
        %parallel_loop3A_538 = arith.constant 0 : i32
        %parallel_loop3A_539 = arith.cmpi slt, %parallel_loop3A_532, %parallel_loop3A_538 : i32
        %parallel_loop3A_540 = arith.xori %parallel_loop3A_537, %parallel_loop3A_539 : i1
        %parallel_loop3A_541 = arith.andi %parallel_loop3A_540, %parallel_loop3A_535 : i1
        %parallel_loop3A_542 = arith.addi %parallel_loop3A_533, %parallel_loop3A_532 : i32
        %parallel_loop3A_543 = arith.select %parallel_loop3A_541, %parallel_loop3A_542, %parallel_loop3A_533 : i32
        %parallel_loop3A_544 = arith.constant 16 : i32
        %parallel_loop3A_545 = arith.muli %parallel_loop3A_543, %parallel_loop3A_544 : i32
        %parallel_loop3A_546 = arith.index_cast %parallel_loop3A_527 : i32 to index
        %parallel_loop3A_547 = arith.index_cast %parallel_loop3A_545 : i32 to index
        %parallel_loop3A_548 = tpu.vector_load %arg9[%parallel_loop3A_546, %parallel_loop3A_547] {strides = array<i32>} : memref<8x1024xf32, #tpu.memory_space<vmem>>, vector<1x16xf32>,
        %parallel_loop3A_549 = vector.shape_cast %parallel_loop3A_548 : vector<1x16xf32> to vector<16xf32>
        %parallel_loop3A_550 = arith.index_cast %parallel_loop3A_527 : i32 to index
        %parallel_loop3A_551 = arith.index_cast %parallel_loop3A_545 : i32 to index
        %parallel_loop3A_552 = tpu.vector_load %arg5[%parallel_loop3A_550, %parallel_loop3A_551] {strides = array<i32>} : memref<8x1024xf32, #tpu.memory_space<vmem>>, vector<1x16xf32>,
        %parallel_loop3A_553 = vector.shape_cast %parallel_loop3A_552 : vector<1x16xf32> to vector<16xf32>
        %parallel_loop3A_554 = arith.addf %parallel_loop3A_549, %parallel_loop3A_553 : vector<16xf32>
        %parallel_loop3A_555 = arith.index_cast %parallel_loop3A_527 : i32 to index
        %parallel_loop3A_556 = arith.index_cast %parallel_loop3A_545 : i32 to index
        %parallel_loop3A_557 = tpu.vector_load %arg17[%parallel_loop3A_555, %parallel_loop3A_556] {strides = array<i32>} : memref<8x1024xf32, #tpu.memory_space<vmem>>, vector<1x16xf32>,
        %parallel_loop3A_558 = vector.shape_cast %parallel_loop3A_557 : vector<1x16xf32> to vector<16xf32>
        %parallel_loop3A_559 = vector.shape_cast %parallel_loop3A_554 : vector<16xf32> to vector<1x16xf32>
        tpu.vector_store %arg17[%parallel_loop3A_555, %parallel_loop3A_556], %parallel_loop3A_559 {strides = array<i32>} : memref<8x1024xf32, #tpu.memory_space<vmem>>, vector<1x16xf32>,
      } {sc.loop_unroll_factor = 8 : i64, sc.parallel_access}
      %mul3A_247 = arith.constant 8 : i32
      %mul3A_248 = arith.muli %add3A_213, %mul3A_247 : i32
      %add3A_249 = arith.addi %mul3A_2, %mul3A_248 : i32
      %dma_start3A_250 = arith.constant 2 : i32
      %dma_start3A_251 = arith.constant 0 : i32
      %dma_start3A_252 = tpu.memref_slice %arg4[%dma_start3A_250, %add3A_249, %dma_start3A_251] : memref<4x8192x1024xf32, #tpu.memory_space<hbm>> -> memref<1x8x1024xf32, #tpu.memory_space<hbm>>
      %dma_start3A_253 = tpu.memref_squeeze %dma_start3A_252 : memref<1x8x1024xf32, #tpu.memory_space<hbm>> -> memref<8x1024xf32, #tpu.memory_space<hbm>>
      %dma_start3A_254 = arith.constant 0 : i32
      %dma_start3A_255 = tpu.memref_slice %arg4[%dma_start3A_250, %add3A_249, %dma_start3A_254] : memref<4x8192x1024xf32, #tpu.memory_space<hbm>> -> memref<1x8x1024xf32, #tpu.memory_space<hbm>>
      %dma_start3A_256 = tpu.memref_squeeze %dma_start3A_255 : memref<1x8x1024xf32, #tpu.memory_space<hbm>> -> memref<8x1024xf32, #tpu.memory_space<hbm>>
      tpu.enqueue_dma source(%arg17 : memref<8x1024xf32, #tpu.memory_space<vmem>>) target(%dma_start3A_256 : memref<8x1024xf32, #tpu.memory_space<hbm>>) target_semaphore(%arg31 : memref<!tpu.dma_semaphore, #tpu.memory_space<semaphore_mem>>)
      %add3A_257 = arith.constant 0 : i32
      %add3A_258 = arith.addi %add3A_120, %add3A_257 : i32
      %mul3A_259 = arith.constant 4 : i32
      %mul3A_260 = arith.muli %add3A_120, %mul3A_259 : i32
      %add3A_261 = arith.constant 3 : i32
      %add3A_262 = arith.addi %mul3A_260, %add3A_261 : i32
      %add3A_263 = arith.constant 2 : i32
      %add3A_264 = arith.addi %add3A_120, %add3A_263 : i32
      %add3A_265 = arith.constant 8 : i32
      %add3A_266 = arith.addi %add3A_262, %add3A_265 : i32
      %sub3A_267 = arith.constant 1 : i32
      %sub3A_268 = arith.subi %add3A_266, %sub3A_267 : i32
      %lt3A_269 = arith.constant 128 : i32
      %lt3A_270 = arith.cmpi slt, %sub3A_268, %lt3A_269 : i32
      %convert_element_type3A_271 = arith.extui %lt3A_270 : i1 to i32
      %cond3A_272 = arith.constant 0 : i32
      %cond3A_273 = arith.cmpi ne, %convert_element_type3A_271, %cond3A_272 : i32
      scf.if %cond3A_273 {
        %mul3A_503 = arith.constant 8 : i32
        %mul3A_504 = arith.muli %add3A_264, %mul3A_503 : i32
        %add3A_505 = arith.addi %mul3A_2, %mul3A_504 : i32
        %dma_start3A_506 = arith.constant 2 : i32
        %dma_start3A_507 = arith.constant 0 : i32
        %dma_start3A_508 = tpu.memref_slice %arg2[%dma_start3A_506, %add3A_505, %dma_start3A_507] : memref<4x8192x1024xf32, #tpu.memory_space<hbm>> -> memref<1x8x1024xf32, #tpu.memory_space<hbm>>
        %dma_start3A_509 = tpu.memref_squeeze %dma_start3A_508 : memref<1x8x1024xf32, #tpu.memory_space<hbm>> -> memref<8x1024xf32, #tpu.memory_space<hbm>>
        %dma_start3A_510 = arith.constant 0 : i32
        %dma_start3A_511 = tpu.memref_slice %arg2[%dma_start3A_506, %add3A_505, %dma_start3A_510] : memref<4x8192x1024xf32, #tpu.memory_space<hbm>> -> memref<1x8x1024xf32, #tpu.memory_space<hbm>>
        %dma_start3A_512 = tpu.memref_squeeze %dma_start3A_511 : memref<1x8x1024xf32, #tpu.memory_space<hbm>> -> memref<8x1024xf32, #tpu.memory_space<hbm>>
        tpu.enqueue_dma source(%dma_start3A_512 : memref<8x1024xf32, #tpu.memory_space<hbm>>) target(%arg9 : memref<8x1024xf32, #tpu.memory_space<vmem>>) target_semaphore(%arg23 : memref<!tpu.dma_semaphore, #tpu.memory_space<semaphore_mem>>)
      } else {
      }
      %mul3A_274 = arith.constant 8 : i32
      %mul3A_275 = arith.muli %add3A_258, %mul3A_274 : i32
      %add3A_276 = arith.addi %mul3A_2, %mul3A_275 : i32
      %dma_wait3A_277 = arith.constant 3 : i32
      %dma_wait3A_278 = arith.constant 0 : i32
      %dma_wait3A_279 = tpu.memref_slice %arg2[%dma_wait3A_277, %add3A_276, %dma_wait3A_278] : memref<4x8192x1024xf32, #tpu.memory_space<hbm>> -> memref<1x8x1024xf32, #tpu.memory_space<hbm>>
      %dma_wait3A_280 = tpu.memref_squeeze %dma_wait3A_279 : memref<1x8x1024xf32, #tpu.memory_space<hbm>> -> memref<8x1024xf32, #tpu.memory_space<hbm>>
      %dma_wait3A_281 = arith.constant 0 : i32
      %dma_wait3A_282 = tpu.memref_slice %arg2[%dma_wait3A_277, %add3A_276, %dma_wait3A_281] : memref<4x8192x1024xf32, #tpu.memory_space<hbm>> -> memref<1x8x1024xf32, #tpu.memory_space<hbm>>
      %dma_wait3A_283 = tpu.memref_squeeze %dma_wait3A_282 : memref<1x8x1024xf32, #tpu.memory_space<hbm>> -> memref<8x1024xf32, #tpu.memory_space<hbm>>
      tpu.wait_dma2 semaphore(%arg24 : memref<!tpu.dma_semaphore, #tpu.memory_space<semaphore_mem>>) src(%dma_wait3A_283 : memref<8x1024xf32, #tpu.memory_space<hbm>>) dst(%arg10 : memref<8x1024xf32, #tpu.memory_space<vmem>>)
      %ge3A_284 = arith.constant 4 : i32
      %ge3A_285 = arith.cmpi sge, %add3A_262, %ge3A_284 : i32
      %convert_element_type3A_286 = arith.extui %ge3A_285 : i1 to i32
      %cond3A_287 = arith.constant 0 : i32
      %cond3A_288 = arith.cmpi ne, %convert_element_type3A_286, %cond3A_287 : i32
      scf.if %cond3A_288 {
        %mul3A_503 = arith.constant 8 : i32
        %mul3A_504 = arith.muli %add3A_258, %mul3A_503 : i32
        %add3A_505 = arith.addi %mul3A_2, %mul3A_504 : i32
        %dma_wait3A_506 = arith.constant 3 : i32
        %dma_wait3A_507 = arith.constant 0 : i32
        %dma_wait3A_508 = tpu.memref_slice %arg4[%dma_wait3A_506, %add3A_505, %dma_wait3A_507] : memref<4x8192x1024xf32, #tpu.memory_space<hbm>> -> memref<1x8x1024xf32, #tpu.memory_space<hbm>>
        %dma_wait3A_509 = tpu.memref_squeeze %dma_wait3A_508 : memref<1x8x1024xf32, #tpu.memory_space<hbm>> -> memref<8x1024xf32, #tpu.memory_space<hbm>>
        %dma_wait3A_510 = arith.constant 0 : i32
        %dma_wait3A_511 = tpu.memref_slice %arg4[%dma_wait3A_506, %add3A_505, %dma_wait3A_510] : memref<4x8192x1024xf32, #tpu.memory_space<hbm>> -> memref<1x8x1024xf32, #tpu.memory_space<hbm>>
        %dma_wait3A_512 = tpu.memref_squeeze %dma_wait3A_511 : memref<1x8x1024xf32, #tpu.memory_space<hbm>> -> memref<8x1024xf32, #tpu.memory_space<hbm>>
        tpu.wait_dma2 semaphore(%arg32 : memref<!tpu.dma_semaphore, #tpu.memory_space<semaphore_mem>>) src(%arg18 : memref<8x1024xf32, #tpu.memory_space<vmem>>) dst(%dma_wait3A_512 : memref<8x1024xf32, #tpu.memory_space<hbm>>)
      } else {
      }
      %parallel_loop3A_289 = arith.constant 0 : i32
      %parallel_loop3A_290 = arith.constant 512 : i32
      %parallel_loop3A_291 = arith.constant 1 : i32
      scf.for %parallel_loop3A_503 = %parallel_loop3A_289 to %parallel_loop3A_290 step %parallel_loop3A_291  : i32 {
        %parallel_loop3A_504 = arith.constant 64 : i32
        %parallel_loop3A_505 = arith.divsi %parallel_loop3A_503, %parallel_loop3A_504 : i32
        %parallel_loop3A_506 = arith.constant 0 : i32
        %parallel_loop3A_507 = arith.cmpi sgt, %parallel_loop3A_503, %parallel_loop3A_506 : i32
        %parallel_loop3A_508 = arith.extui %parallel_loop3A_507 : i1 to i32
        %parallel_loop3A_509 = arith.constant 0 : i32
        %parallel_loop3A_510 = arith.cmpi slt, %parallel_loop3A_503, %parallel_loop3A_509 : i32
        %parallel_loop3A_511 = arith.extui %parallel_loop3A_510 : i1 to i32
        %parallel_loop3A_512 = arith.subi %parallel_loop3A_508, %parallel_loop3A_511 : i32
        %parallel_loop3A_513 = arith.constant 0 : i32
        %parallel_loop3A_514 = arith.cmpi sgt, %parallel_loop3A_504, %parallel_loop3A_513 : i32
        %parallel_loop3A_515 = arith.extui %parallel_loop3A_514 : i1 to i32
        %parallel_loop3A_516 = arith.constant 0 : i32
        %parallel_loop3A_517 = arith.cmpi slt, %parallel_loop3A_504, %parallel_loop3A_516 : i32
        %parallel_loop3A_518 = arith.extui %parallel_loop3A_517 : i1 to i32
        %parallel_loop3A_519 = arith.subi %parallel_loop3A_515, %parallel_loop3A_518 : i32
        %parallel_loop3A_520 = arith.cmpi ne, %parallel_loop3A_512, %parallel_loop3A_519 : i32
        %parallel_loop3A_521 = arith.remsi %parallel_loop3A_503, %parallel_loop3A_504 : i32
        %parallel_loop3A_522 = arith.constant 0 : i32
        %parallel_loop3A_523 = arith.cmpi ne, %parallel_loop3A_521, %parallel_loop3A_522 : i32
        %parallel_loop3A_524 = arith.andi %parallel_loop3A_520, %parallel_loop3A_523 : i1
        %parallel_loop3A_525 = arith.constant 1 : i32
        %parallel_loop3A_526 = arith.subi %parallel_loop3A_505, %parallel_loop3A_525 : i32
        %parallel_loop3A_527 = arith.select %parallel_loop3A_524, %parallel_loop3A_526, %parallel_loop3A_505 : i32
        %parallel_loop3A_528 = arith.constant 64 : i32
        %parallel_loop3A_529 = arith.constant 0 : i32
        %parallel_loop3A_530 = arith.cmpi eq, %parallel_loop3A_528, %parallel_loop3A_529 : i32
        %parallel_loop3A_531 = arith.constant 1 : i32
        %parallel_loop3A_532 = arith.select %parallel_loop3A_530, %parallel_loop3A_531, %parallel_loop3A_528 : i32
        %parallel_loop3A_533 = arith.remsi %parallel_loop3A_503, %parallel_loop3A_532 : i32
        %parallel_loop3A_534 = arith.constant 0 : i32
        %parallel_loop3A_535 = arith.cmpi ne, %parallel_loop3A_533, %parallel_loop3A_534 : i32
        %parallel_loop3A_536 = arith.constant 0 : i32
        %parallel_loop3A_537 = arith.cmpi slt, %parallel_loop3A_533, %parallel_loop3A_536 : i32
        %parallel_loop3A_538 = arith.constant 0 : i32
        %parallel_loop3A_539 = arith.cmpi slt, %parallel_loop3A_532, %parallel_loop3A_538 : i32
        %parallel_loop3A_540 = arith.xori %parallel_loop3A_537, %parallel_loop3A_539 : i1
        %parallel_loop3A_541 = arith.andi %parallel_loop3A_540, %parallel_loop3A_535 : i1
        %parallel_loop3A_542 = arith.addi %parallel_loop3A_533, %parallel_loop3A_532 : i32
        %parallel_loop3A_543 = arith.select %parallel_loop3A_541, %parallel_loop3A_542, %parallel_loop3A_533 : i32
        %parallel_loop3A_544 = arith.constant 16 : i32
        %parallel_loop3A_545 = arith.muli %parallel_loop3A_543, %parallel_loop3A_544 : i32
        %parallel_loop3A_546 = arith.index_cast %parallel_loop3A_527 : i32 to index
        %parallel_loop3A_547 = arith.index_cast %parallel_loop3A_545 : i32 to index
        %parallel_loop3A_548 = tpu.vector_load %arg10[%parallel_loop3A_546, %parallel_loop3A_547] {strides = array<i32>} : memref<8x1024xf32, #tpu.memory_space<vmem>>, vector<1x16xf32>,
        %parallel_loop3A_549 = vector.shape_cast %parallel_loop3A_548 : vector<1x16xf32> to vector<16xf32>
        %parallel_loop3A_550 = arith.index_cast %parallel_loop3A_527 : i32 to index
        %parallel_loop3A_551 = arith.index_cast %parallel_loop3A_545 : i32 to index
        %parallel_loop3A_552 = tpu.vector_load %arg5[%parallel_loop3A_550, %parallel_loop3A_551] {strides = array<i32>} : memref<8x1024xf32, #tpu.memory_space<vmem>>, vector<1x16xf32>,
        %parallel_loop3A_553 = vector.shape_cast %parallel_loop3A_552 : vector<1x16xf32> to vector<16xf32>
        %parallel_loop3A_554 = arith.addf %parallel_loop3A_549, %parallel_loop3A_553 : vector<16xf32>
        %parallel_loop3A_555 = arith.index_cast %parallel_loop3A_527 : i32 to index
        %parallel_loop3A_556 = arith.index_cast %parallel_loop3A_545 : i32 to index
        %parallel_loop3A_557 = tpu.vector_load %arg18[%parallel_loop3A_555, %parallel_loop3A_556] {strides = array<i32>} : memref<8x1024xf32, #tpu.memory_space<vmem>>, vector<1x16xf32>,
        %parallel_loop3A_558 = vector.shape_cast %parallel_loop3A_557 : vector<1x16xf32> to vector<16xf32>
        %parallel_loop3A_559 = vector.shape_cast %parallel_loop3A_554 : vector<16xf32> to vector<1x16xf32>
        tpu.vector_store %arg18[%parallel_loop3A_555, %parallel_loop3A_556], %parallel_loop3A_559 {strides = array<i32>} : memref<8x1024xf32, #tpu.memory_space<vmem>>, vector<1x16xf32>,
      } {sc.loop_unroll_factor = 8 : i64, sc.parallel_access}
      %mul3A_292 = arith.constant 8 : i32
      %mul3A_293 = arith.muli %add3A_258, %mul3A_292 : i32
      %add3A_294 = arith.addi %mul3A_2, %mul3A_293 : i32
      %dma_start3A_295 = arith.constant 3 : i32
      %dma_start3A_296 = arith.constant 0 : i32
      %dma_start3A_297 = tpu.memref_slice %arg4[%dma_start3A_295, %add3A_294, %dma_start3A_296] : memref<4x8192x1024xf32, #tpu.memory_space<hbm>> -> memref<1x8x1024xf32, #tpu.memory_space<hbm>>
      %dma_start3A_298 = tpu.memref_squeeze %dma_start3A_297 : memref<1x8x1024xf32, #tpu.memory_space<hbm>> -> memref<8x1024xf32, #tpu.memory_space<hbm>>
      %dma_start3A_299 = arith.constant 0 : i32
      %dma_start3A_300 = tpu.memref_slice %arg4[%dma_start3A_295, %add3A_294, %dma_start3A_299] : memref<4x8192x1024xf32, #tpu.memory_space<hbm>> -> memref<1x8x1024xf32, #tpu.memory_space<hbm>>
      %dma_start3A_301 = tpu.memref_squeeze %dma_start3A_300 : memref<1x8x1024xf32, #tpu.memory_space<hbm>> -> memref<8x1024xf32, #tpu.memory_space<hbm>>
      tpu.enqueue_dma source(%arg18 : memref<8x1024xf32, #tpu.memory_space<vmem>>) target(%dma_start3A_301 : memref<8x1024xf32, #tpu.memory_space<hbm>>) target_semaphore(%arg32 : memref<!tpu.dma_semaphore, #tpu.memory_space<semaphore_mem>>)
      %add3A_302 = arith.constant 2 : i32
      %add3A_303 = arith.addi %add3A_258, %add3A_302 : i32
      %lt3A_304 = arith.constant 32 : i32
      %lt3A_305 = arith.cmpi slt, %add3A_303, %lt3A_304 : i32
      %convert_element_type3A_306 = arith.extui %lt3A_305 : i1 to i32
      %cond3A_307 = arith.constant 0 : i32
      %cond3A_308 = arith.cmpi ne, %convert_element_type3A_306, %cond3A_307 : i32
      scf.if %cond3A_308 {
        %add3A_503 = arith.constant 2 : i32
        %add3A_504 = arith.addi %add3A_258, %add3A_503 : i32
        %mul3A_505 = arith.constant 8 : i32
        %mul3A_506 = arith.muli %add3A_504, %mul3A_505 : i32
        %add3A_507 = arith.addi %mul3A_2, %mul3A_506 : i32
        %dma_start3A_508 = arith.constant 0 : i32
        %dma_start3A_509 = tpu.memref_slice %arg3[%add3A_507, %dma_start3A_508] : memref<8192x1024xf32, #tpu.memory_space<hbm>> -> memref<8x1024xf32, #tpu.memory_space<hbm>>
        %dma_start3A_510 = arith.constant 0 : i32
        %dma_start3A_511 = tpu.memref_slice %arg3[%add3A_507, %dma_start3A_510] : memref<8192x1024xf32, #tpu.memory_space<hbm>> -> memref<8x1024xf32, #tpu.memory_space<hbm>>
        tpu.enqueue_dma source(%dma_start3A_511 : memref<8x1024xf32, #tpu.memory_space<hbm>>) target(%arg5 : memref<8x1024xf32, #tpu.memory_space<vmem>>) target_semaphore(%arg19 : memref<!tpu.dma_semaphore, #tpu.memory_space<semaphore_mem>>)
      } else {
      }
      %add3A_309 = arith.constant 1 : i32
      %add3A_310 = arith.addi %add3A_120, %add3A_309 : i32
      %mul3A_311 = arith.constant 4 : i32
      %mul3A_312 = arith.muli %add3A_120, %mul3A_311 : i32
      %add3A_313 = arith.constant 4 : i32
      %add3A_314 = arith.addi %mul3A_312, %add3A_313 : i32
      %add3A_315 = arith.constant 2 : i32
      %add3A_316 = arith.addi %add3A_120, %add3A_315 : i32
      %add3A_317 = arith.constant 8 : i32
      %add3A_318 = arith.addi %add3A_314, %add3A_317 : i32
      %sub3A_319 = arith.constant 1 : i32
      %sub3A_320 = arith.subi %add3A_318, %sub3A_319 : i32
      %lt3A_321 = arith.constant 128 : i32
      %lt3A_322 = arith.cmpi slt, %sub3A_320, %lt3A_321 : i32
      %convert_element_type3A_323 = arith.extui %lt3A_322 : i1 to i32
      %cond3A_324 = arith.constant 0 : i32
      %cond3A_325 = arith.cmpi ne, %convert_element_type3A_323, %cond3A_324 : i32
      scf.if %cond3A_325 {
        %mul3A_503 = arith.constant 8 : i32
        %mul3A_504 = arith.muli %add3A_316, %mul3A_503 : i32
        %add3A_505 = arith.addi %mul3A_2, %mul3A_504 : i32
        %dma_start3A_506 = arith.constant 3 : i32
        %dma_start3A_507 = arith.constant 0 : i32
        %dma_start3A_508 = tpu.memref_slice %arg2[%dma_start3A_506, %add3A_505, %dma_start3A_507] : memref<4x8192x1024xf32, #tpu.memory_space<hbm>> -> memref<1x8x1024xf32, #tpu.memory_space<hbm>>
        %dma_start3A_509 = tpu.memref_squeeze %dma_start3A_508 : memref<1x8x1024xf32, #tpu.memory_space<hbm>> -> memref<8x1024xf32, #tpu.memory_space<hbm>>
        %dma_start3A_510 = arith.constant 0 : i32
        %dma_start3A_511 = tpu.memref_slice %arg2[%dma_start3A_506, %add3A_505, %dma_start3A_510] : memref<4x8192x1024xf32, #tpu.memory_space<hbm>> -> memref<1x8x1024xf32, #tpu.memory_space<hbm>>
        %dma_start3A_512 = tpu.memref_squeeze %dma_start3A_511 : memref<1x8x1024xf32, #tpu.memory_space<hbm>> -> memref<8x1024xf32, #tpu.memory_space<hbm>>
        tpu.enqueue_dma source(%dma_start3A_512 : memref<8x1024xf32, #tpu.memory_space<hbm>>) target(%arg10 : memref<8x1024xf32, #tpu.memory_space<vmem>>) target_semaphore(%arg24 : memref<!tpu.dma_semaphore, #tpu.memory_space<semaphore_mem>>)
      } else {
      }
      %mul3A_326 = arith.constant 8 : i32
      %mul3A_327 = arith.muli %add3A_310, %mul3A_326 : i32
      %add3A_328 = arith.addi %mul3A_2, %mul3A_327 : i32
      %dma_wait3A_329 = arith.constant 0 : i32
      %dma_wait3A_330 = tpu.memref_slice %arg3[%add3A_328, %dma_wait3A_329] : memref<8192x1024xf32, #tpu.memory_space<hbm>> -> memref<8x1024xf32, #tpu.memory_space<hbm>>
      %dma_wait3A_331 = arith.constant 0 : i32
      %dma_wait3A_332 = tpu.memref_slice %arg3[%add3A_328, %dma_wait3A_331] : memref<8192x1024xf32, #tpu.memory_space<hbm>> -> memref<8x1024xf32, #tpu.memory_space<hbm>>
      tpu.wait_dma2 semaphore(%arg20 : memref<!tpu.dma_semaphore, #tpu.memory_space<semaphore_mem>>) src(%dma_wait3A_332 : memref<8x1024xf32, #tpu.memory_space<hbm>>) dst(%arg6 : memref<8x1024xf32, #tpu.memory_space<vmem>>)
      %mul3A_333 = arith.constant 8 : i32
      %mul3A_334 = arith.muli %add3A_310, %mul3A_333 : i32
      %add3A_335 = arith.addi %mul3A_2, %mul3A_334 : i32
      %dma_wait3A_336 = arith.constant 0 : i32
      %dma_wait3A_337 = arith.constant 0 : i32
      %dma_wait3A_338 = tpu.memref_slice %arg2[%dma_wait3A_336, %add3A_335, %dma_wait3A_337] : memref<4x8192x1024xf32, #tpu.memory_space<hbm>> -> memref<1x8x1024xf32, #tpu.memory_space<hbm>>
      %dma_wait3A_339 = tpu.memref_squeeze %dma_wait3A_338 : memref<1x8x1024xf32, #tpu.memory_space<hbm>> -> memref<8x1024xf32, #tpu.memory_space<hbm>>
      %dma_wait3A_340 = arith.constant 0 : i32
      %dma_wait3A_341 = tpu.memref_slice %arg2[%dma_wait3A_336, %add3A_335, %dma_wait3A_340] : memref<4x8192x1024xf32, #tpu.memory_space<hbm>> -> memref<1x8x1024xf32, #tpu.memory_space<hbm>>
      %dma_wait3A_342 = tpu.memref_squeeze %dma_wait3A_341 : memref<1x8x1024xf32, #tpu.memory_space<hbm>> -> memref<8x1024xf32, #tpu.memory_space<hbm>>
      tpu.wait_dma2 semaphore(%arg25 : memref<!tpu.dma_semaphore, #tpu.memory_space<semaphore_mem>>) src(%dma_wait3A_342 : memref<8x1024xf32, #tpu.memory_space<hbm>>) dst(%arg11 : memref<8x1024xf32, #tpu.memory_space<vmem>>)
      %ge3A_343 = arith.constant 4 : i32
      %ge3A_344 = arith.cmpi sge, %add3A_314, %ge3A_343 : i32
      %convert_element_type3A_345 = arith.extui %ge3A_344 : i1 to i32
      %cond3A_346 = arith.constant 0 : i32
      %cond3A_347 = arith.cmpi ne, %convert_element_type3A_345, %cond3A_346 : i32
      scf.if %cond3A_347 {
        %mul3A_503 = arith.constant 8 : i32
        %mul3A_504 = arith.muli %add3A_310, %mul3A_503 : i32
        %add3A_505 = arith.addi %mul3A_2, %mul3A_504 : i32
        %dma_wait3A_506 = arith.constant 0 : i32
        %dma_wait3A_507 = arith.constant 0 : i32
        %dma_wait3A_508 = tpu.memref_slice %arg4[%dma_wait3A_506, %add3A_505, %dma_wait3A_507] : memref<4x8192x1024xf32, #tpu.memory_space<hbm>> -> memref<1x8x1024xf32, #tpu.memory_space<hbm>>
        %dma_wait3A_509 = tpu.memref_squeeze %dma_wait3A_508 : memref<1x8x1024xf32, #tpu.memory_space<hbm>> -> memref<8x1024xf32, #tpu.memory_space<hbm>>
        %dma_wait3A_510 = arith.constant 0 : i32
        %dma_wait3A_511 = tpu.memref_slice %arg4[%dma_wait3A_506, %add3A_505, %dma_wait3A_510] : memref<4x8192x1024xf32, #tpu.memory_space<hbm>> -> memref<1x8x1024xf32, #tpu.memory_space<hbm>>
        %dma_wait3A_512 = tpu.memref_squeeze %dma_wait3A_511 : memref<1x8x1024xf32, #tpu.memory_space<hbm>> -> memref<8x1024xf32, #tpu.memory_space<hbm>>
        tpu.wait_dma2 semaphore(%arg29 : memref<!tpu.dma_semaphore, #tpu.memory_space<semaphore_mem>>) src(%arg15 : memref<8x1024xf32, #tpu.memory_space<vmem>>) dst(%dma_wait3A_512 : memref<8x1024xf32, #tpu.memory_space<hbm>>)
      } else {
      }
      %parallel_loop3A_348 = arith.constant 0 : i32
      %parallel_loop3A_349 = arith.constant 512 : i32
      %parallel_loop3A_350 = arith.constant 1 : i32
      scf.for %parallel_loop3A_503 = %parallel_loop3A_348 to %parallel_loop3A_349 step %parallel_loop3A_350  : i32 {
        %parallel_loop3A_504 = arith.constant 64 : i32
        %parallel_loop3A_505 = arith.divsi %parallel_loop3A_503, %parallel_loop3A_504 : i32
        %parallel_loop3A_506 = arith.constant 0 : i32
        %parallel_loop3A_507 = arith.cmpi sgt, %parallel_loop3A_503, %parallel_loop3A_506 : i32
        %parallel_loop3A_508 = arith.extui %parallel_loop3A_507 : i1 to i32
        %parallel_loop3A_509 = arith.constant 0 : i32
        %parallel_loop3A_510 = arith.cmpi slt, %parallel_loop3A_503, %parallel_loop3A_509 : i32
        %parallel_loop3A_511 = arith.extui %parallel_loop3A_510 : i1 to i32
        %parallel_loop3A_512 = arith.subi %parallel_loop3A_508, %parallel_loop3A_511 : i32
        %parallel_loop3A_513 = arith.constant 0 : i32
        %parallel_loop3A_514 = arith.cmpi sgt, %parallel_loop3A_504, %parallel_loop3A_513 : i32
        %parallel_loop3A_515 = arith.extui %parallel_loop3A_514 : i1 to i32
        %parallel_loop3A_516 = arith.constant 0 : i32
        %parallel_loop3A_517 = arith.cmpi slt, %parallel_loop3A_504, %parallel_loop3A_516 : i32
        %parallel_loop3A_518 = arith.extui %parallel_loop3A_517 : i1 to i32
        %parallel_loop3A_519 = arith.subi %parallel_loop3A_515, %parallel_loop3A_518 : i32
        %parallel_loop3A_520 = arith.cmpi ne, %parallel_loop3A_512, %parallel_loop3A_519 : i32
        %parallel_loop3A_521 = arith.remsi %parallel_loop3A_503, %parallel_loop3A_504 : i32
        %parallel_loop3A_522 = arith.constant 0 : i32
        %parallel_loop3A_523 = arith.cmpi ne, %parallel_loop3A_521, %parallel_loop3A_522 : i32
        %parallel_loop3A_524 = arith.andi %parallel_loop3A_520, %parallel_loop3A_523 : i1
        %parallel_loop3A_525 = arith.constant 1 : i32
        %parallel_loop3A_526 = arith.subi %parallel_loop3A_505, %parallel_loop3A_525 : i32
        %parallel_loop3A_527 = arith.select %parallel_loop3A_524, %parallel_loop3A_526, %parallel_loop3A_505 : i32
        %parallel_loop3A_528 = arith.constant 64 : i32
        %parallel_loop3A_529 = arith.constant 0 : i32
        %parallel_loop3A_530 = arith.cmpi eq, %parallel_loop3A_528, %parallel_loop3A_529 : i32
        %parallel_loop3A_531 = arith.constant 1 : i32
        %parallel_loop3A_532 = arith.select %parallel_loop3A_530, %parallel_loop3A_531, %parallel_loop3A_528 : i32
        %parallel_loop3A_533 = arith.remsi %parallel_loop3A_503, %parallel_loop3A_532 : i32
        %parallel_loop3A_534 = arith.constant 0 : i32
        %parallel_loop3A_535 = arith.cmpi ne, %parallel_loop3A_533, %parallel_loop3A_534 : i32
        %parallel_loop3A_536 = arith.constant 0 : i32
        %parallel_loop3A_537 = arith.cmpi slt, %parallel_loop3A_533, %parallel_loop3A_536 : i32
        %parallel_loop3A_538 = arith.constant 0 : i32
        %parallel_loop3A_539 = arith.cmpi slt, %parallel_loop3A_532, %parallel_loop3A_538 : i32
        %parallel_loop3A_540 = arith.xori %parallel_loop3A_537, %parallel_loop3A_539 : i1
        %parallel_loop3A_541 = arith.andi %parallel_loop3A_540, %parallel_loop3A_535 : i1
        %parallel_loop3A_542 = arith.addi %parallel_loop3A_533, %parallel_loop3A_532 : i32
        %parallel_loop3A_543 = arith.select %parallel_loop3A_541, %parallel_loop3A_542, %parallel_loop3A_533 : i32
        %parallel_loop3A_544 = arith.constant 16 : i32
        %parallel_loop3A_545 = arith.muli %parallel_loop3A_543, %parallel_loop3A_544 : i32
        %parallel_loop3A_546 = arith.index_cast %parallel_loop3A_527 : i32 to index
        %parallel_loop3A_547 = arith.index_cast %parallel_loop3A_545 : i32 to index
        %parallel_loop3A_548 = tpu.vector_load %arg11[%parallel_loop3A_546, %parallel_loop3A_547] {strides = array<i32>} : memref<8x1024xf32, #tpu.memory_space<vmem>>, vector<1x16xf32>,
        %parallel_loop3A_549 = vector.shape_cast %parallel_loop3A_548 : vector<1x16xf32> to vector<16xf32>
        %parallel_loop3A_550 = arith.index_cast %parallel_loop3A_527 : i32 to index
        %parallel_loop3A_551 = arith.index_cast %parallel_loop3A_545 : i32 to index
        %parallel_loop3A_552 = tpu.vector_load %arg6[%parallel_loop3A_550, %parallel_loop3A_551] {strides = array<i32>} : memref<8x1024xf32, #tpu.memory_space<vmem>>, vector<1x16xf32>,
        %parallel_loop3A_553 = vector.shape_cast %parallel_loop3A_552 : vector<1x16xf32> to vector<16xf32>
        %parallel_loop3A_554 = arith.addf %parallel_loop3A_549, %parallel_loop3A_553 : vector<16xf32>
        %parallel_loop3A_555 = arith.index_cast %parallel_loop3A_527 : i32 to index
        %parallel_loop3A_556 = arith.index_cast %parallel_loop3A_545 : i32 to index
        %parallel_loop3A_557 = tpu.vector_load %arg15[%parallel_loop3A_555, %parallel_loop3A_556] {strides = array<i32>} : memref<8x1024xf32, #tpu.memory_space<vmem>>, vector<1x16xf32>,
        %parallel_loop3A_558 = vector.shape_cast %parallel_loop3A_557 : vector<1x16xf32> to vector<16xf32>
        %parallel_loop3A_559 = vector.shape_cast %parallel_loop3A_554 : vector<16xf32> to vector<1x16xf32>
        tpu.vector_store %arg15[%parallel_loop3A_555, %parallel_loop3A_556], %parallel_loop3A_559 {strides = array<i32>} : memref<8x1024xf32, #tpu.memory_space<vmem>>, vector<1x16xf32>,
      } {sc.loop_unroll_factor = 8 : i64, sc.parallel_access}
      %mul3A_351 = arith.constant 8 : i32
      %mul3A_352 = arith.muli %add3A_310, %mul3A_351 : i32
      %add3A_353 = arith.addi %mul3A_2, %mul3A_352 : i32
      %dma_start3A_354 = arith.constant 0 : i32
      %dma_start3A_355 = arith.constant 0 : i32
      %dma_start3A_356 = tpu.memref_slice %arg4[%dma_start3A_354, %add3A_353, %dma_start3A_355] : memref<4x8192x1024xf32, #tpu.memory_space<hbm>> -> memref<1x8x1024xf32, #tpu.memory_space<hbm>>
      %dma_start3A_357 = tpu.memref_squeeze %dma_start3A_356 : memref<1x8x1024xf32, #tpu.memory_space<hbm>> -> memref<8x1024xf32, #tpu.memory_space<hbm>>
      %dma_start3A_358 = arith.constant 0 : i32
      %dma_start3A_359 = tpu.memref_slice %arg4[%dma_start3A_354, %add3A_353, %dma_start3A_358] : memref<4x8192x1024xf32, #tpu.memory_space<hbm>> -> memref<1x8x1024xf32, #tpu.memory_space<hbm>>
      %dma_start3A_360 = tpu.memref_squeeze %dma_start3A_359 : memref<1x8x1024xf32, #tpu.memory_space<hbm>> -> memref<8x1024xf32, #tpu.memory_space<hbm>>
      tpu.enqueue_dma source(%arg15 : memref<8x1024xf32, #tpu.memory_space<vmem>>) target(%dma_start3A_360 : memref<8x1024xf32, #tpu.memory_space<hbm>>) target_semaphore(%arg29 : memref<!tpu.dma_semaphore, #tpu.memory_space<semaphore_mem>>)
      %add3A_361 = arith.constant 1 : i32
      %add3A_362 = arith.addi %add3A_120, %add3A_361 : i32
      %mul3A_363 = arith.constant 4 : i32
      %mul3A_364 = arith.muli %add3A_120, %mul3A_363 : i32
      %add3A_365 = arith.constant 5 : i32
      %add3A_366 = arith.addi %mul3A_364, %add3A_365 : i32
      %add3A_367 = arith.constant 3 : i32
      %add3A_368 = arith.addi %add3A_120, %add3A_367 : i32
      %add3A_369 = arith.constant 8 : i32
      %add3A_370 = arith.addi %add3A_366, %add3A_369 : i32
      %sub3A_371 = arith.constant 1 : i32
      %sub3A_372 = arith.subi %add3A_370, %sub3A_371 : i32
      %lt3A_373 = arith.constant 128 : i32
      %lt3A_374 = arith.cmpi slt, %sub3A_372, %lt3A_373 : i32
      %convert_element_type3A_375 = arith.extui %lt3A_374 : i1 to i32
      %cond3A_376 = arith.constant 0 : i32
      %cond3A_377 = arith.cmpi ne, %convert_element_type3A_375, %cond3A_376 : i32
      scf.if %cond3A_377 {
        %mul3A_503 = arith.constant 8 : i32
        %mul3A_504 = arith.muli %add3A_368, %mul3A_503 : i32
        %add3A_505 = arith.addi %mul3A_2, %mul3A_504 : i32
        %dma_start3A_506 = arith.constant 0 : i32
        %dma_start3A_507 = arith.constant 0 : i32
        %dma_start3A_508 = tpu.memref_slice %arg2[%dma_start3A_506, %add3A_505, %dma_start3A_507] : memref<4x8192x1024xf32, #tpu.memory_space<hbm>> -> memref<1x8x1024xf32, #tpu.memory_space<hbm>>
        %dma_start3A_509 = tpu.memref_squeeze %dma_start3A_508 : memref<1x8x1024xf32, #tpu.memory_space<hbm>> -> memref<8x1024xf32, #tpu.memory_space<hbm>>
        %dma_start3A_510 = arith.constant 0 : i32
        %dma_start3A_511 = tpu.memref_slice %arg2[%dma_start3A_506, %add3A_505, %dma_start3A_510] : memref<4x8192x1024xf32, #tpu.memory_space<hbm>> -> memref<1x8x1024xf32, #tpu.memory_space<hbm>>
        %dma_start3A_512 = tpu.memref_squeeze %dma_start3A_511 : memref<1x8x1024xf32, #tpu.memory_space<hbm>> -> memref<8x1024xf32, #tpu.memory_space<hbm>>
        tpu.enqueue_dma source(%dma_start3A_512 : memref<8x1024xf32, #tpu.memory_space<hbm>>) target(%arg11 : memref<8x1024xf32, #tpu.memory_space<vmem>>) target_semaphore(%arg25 : memref<!tpu.dma_semaphore, #tpu.memory_space<semaphore_mem>>)
      } else {
      }
      %mul3A_378 = arith.constant 8 : i32
      %mul3A_379 = arith.muli %add3A_362, %mul3A_378 : i32
      %add3A_380 = arith.addi %mul3A_2, %mul3A_379 : i32
      %dma_wait3A_381 = arith.constant 1 : i32
      %dma_wait3A_382 = arith.constant 0 : i32
      %dma_wait3A_383 = tpu.memref_slice %arg2[%dma_wait3A_381, %add3A_380, %dma_wait3A_382] : memref<4x8192x1024xf32, #tpu.memory_space<hbm>> -> memref<1x8x1024xf32, #tpu.memory_space<hbm>>
      %dma_wait3A_384 = tpu.memref_squeeze %dma_wait3A_383 : memref<1x8x1024xf32, #tpu.memory_space<hbm>> -> memref<8x1024xf32, #tpu.memory_space<hbm>>
      %dma_wait3A_385 = arith.constant 0 : i32
      %dma_wait3A_386 = tpu.memref_slice %arg2[%dma_wait3A_381, %add3A_380, %dma_wait3A_385] : memref<4x8192x1024xf32, #tpu.memory_space<hbm>> -> memref<1x8x1024xf32, #tpu.memory_space<hbm>>
      %dma_wait3A_387 = tpu.memref_squeeze %dma_wait3A_386 : memref<1x8x1024xf32, #tpu.memory_space<hbm>> -> memref<8x1024xf32, #tpu.memory_space<hbm>>
      tpu.wait_dma2 semaphore(%arg26 : memref<!tpu.dma_semaphore, #tpu.memory_space<semaphore_mem>>) src(%dma_wait3A_387 : memref<8x1024xf32, #tpu.memory_space<hbm>>) dst(%arg12 : memref<8x1024xf32, #tpu.memory_space<vmem>>)
      %ge3A_388 = arith.constant 4 : i32
      %ge3A_389 = arith.cmpi sge, %add3A_366, %ge3A_388 : i32
      %convert_element_type3A_390 = arith.extui %ge3A_389 : i1 to i32
      %cond3A_391 = arith.constant 0 : i32
      %cond3A_392 = arith.cmpi ne, %convert_element_type3A_390, %cond3A_391 : i32
      scf.if %cond3A_392 {
        %mul3A_503 = arith.constant 8 : i32
        %mul3A_504 = arith.muli %add3A_362, %mul3A_503 : i32
        %add3A_505 = arith.addi %mul3A_2, %mul3A_504 : i32
        %dma_wait3A_506 = arith.constant 1 : i32
        %dma_wait3A_507 = arith.constant 0 : i32
        %dma_wait3A_508 = tpu.memref_slice %arg4[%dma_wait3A_506, %add3A_505, %dma_wait3A_507] : memref<4x8192x1024xf32, #tpu.memory_space<hbm>> -> memref<1x8x1024xf32, #tpu.memory_space<hbm>>
        %dma_wait3A_509 = tpu.memref_squeeze %dma_wait3A_508 : memref<1x8x1024xf32, #tpu.memory_space<hbm>> -> memref<8x1024xf32, #tpu.memory_space<hbm>>
        %dma_wait3A_510 = arith.constant 0 : i32
        %dma_wait3A_511 = tpu.memref_slice %arg4[%dma_wait3A_506, %add3A_505, %dma_wait3A_510] : memref<4x8192x1024xf32, #tpu.memory_space<hbm>> -> memref<1x8x1024xf32, #tpu.memory_space<hbm>>
        %dma_wait3A_512 = tpu.memref_squeeze %dma_wait3A_511 : memref<1x8x1024xf32, #tpu.memory_space<hbm>> -> memref<8x1024xf32, #tpu.memory_space<hbm>>
        tpu.wait_dma2 semaphore(%arg30 : memref<!tpu.dma_semaphore, #tpu.memory_space<semaphore_mem>>) src(%arg16 : memref<8x1024xf32, #tpu.memory_space<vmem>>) dst(%dma_wait3A_512 : memref<8x1024xf32, #tpu.memory_space<hbm>>)
      } else {
      }
      %parallel_loop3A_393 = arith.constant 0 : i32
      %parallel_loop3A_394 = arith.constant 512 : i32
      %parallel_loop3A_395 = arith.constant 1 : i32
      scf.for %parallel_loop3A_503 = %parallel_loop3A_393 to %parallel_loop3A_394 step %parallel_loop3A_395  : i32 {
        %parallel_loop3A_504 = arith.constant 64 : i32
        %parallel_loop3A_505 = arith.divsi %parallel_loop3A_503, %parallel_loop3A_504 : i32
        %parallel_loop3A_506 = arith.constant 0 : i32
        %parallel_loop3A_507 = arith.cmpi sgt, %parallel_loop3A_503, %parallel_loop3A_506 : i32
        %parallel_loop3A_508 = arith.extui %parallel_loop3A_507 : i1 to i32
        %parallel_loop3A_509 = arith.constant 0 : i32
        %parallel_loop3A_510 = arith.cmpi slt, %parallel_loop3A_503, %parallel_loop3A_509 : i32
        %parallel_loop3A_511 = arith.extui %parallel_loop3A_510 : i1 to i32
        %parallel_loop3A_512 = arith.subi %parallel_loop3A_508, %parallel_loop3A_511 : i32
        %parallel_loop3A_513 = arith.constant 0 : i32
        %parallel_loop3A_514 = arith.cmpi sgt, %parallel_loop3A_504, %parallel_loop3A_513 : i32
        %parallel_loop3A_515 = arith.extui %parallel_loop3A_514 : i1 to i32
        %parallel_loop3A_516 = arith.constant 0 : i32
        %parallel_loop3A_517 = arith.cmpi slt, %parallel_loop3A_504, %parallel_loop3A_516 : i32
        %parallel_loop3A_518 = arith.extui %parallel_loop3A_517 : i1 to i32
        %parallel_loop3A_519 = arith.subi %parallel_loop3A_515, %parallel_loop3A_518 : i32
        %parallel_loop3A_520 = arith.cmpi ne, %parallel_loop3A_512, %parallel_loop3A_519 : i32
        %parallel_loop3A_521 = arith.remsi %parallel_loop3A_503, %parallel_loop3A_504 : i32
        %parallel_loop3A_522 = arith.constant 0 : i32
        %parallel_loop3A_523 = arith.cmpi ne, %parallel_loop3A_521, %parallel_loop3A_522 : i32
        %parallel_loop3A_524 = arith.andi %parallel_loop3A_520, %parallel_loop3A_523 : i1
        %parallel_loop3A_525 = arith.constant 1 : i32
        %parallel_loop3A_526 = arith.subi %parallel_loop3A_505, %parallel_loop3A_525 : i32
        %parallel_loop3A_527 = arith.select %parallel_loop3A_524, %parallel_loop3A_526, %parallel_loop3A_505 : i32
        %parallel_loop3A_528 = arith.constant 64 : i32
        %parallel_loop3A_529 = arith.constant 0 : i32
        %parallel_loop3A_530 = arith.cmpi eq, %parallel_loop3A_528, %parallel_loop3A_529 : i32
        %parallel_loop3A_531 = arith.constant 1 : i32
        %parallel_loop3A_532 = arith.select %parallel_loop3A_530, %parallel_loop3A_531, %parallel_loop3A_528 : i32
        %parallel_loop3A_533 = arith.remsi %parallel_loop3A_503, %parallel_loop3A_532 : i32
        %parallel_loop3A_534 = arith.constant 0 : i32
        %parallel_loop3A_535 = arith.cmpi ne, %parallel_loop3A_533, %parallel_loop3A_534 : i32
        %parallel_loop3A_536 = arith.constant 0 : i32
        %parallel_loop3A_537 = arith.cmpi slt, %parallel_loop3A_533, %parallel_loop3A_536 : i32
        %parallel_loop3A_538 = arith.constant 0 : i32
        %parallel_loop3A_539 = arith.cmpi slt, %parallel_loop3A_532, %parallel_loop3A_538 : i32
        %parallel_loop3A_540 = arith.xori %parallel_loop3A_537, %parallel_loop3A_539 : i1
        %parallel_loop3A_541 = arith.andi %parallel_loop3A_540, %parallel_loop3A_535 : i1
        %parallel_loop3A_542 = arith.addi %parallel_loop3A_533, %parallel_loop3A_532 : i32
        %parallel_loop3A_543 = arith.select %parallel_loop3A_541, %parallel_loop3A_542, %parallel_loop3A_533 : i32
        %parallel_loop3A_544 = arith.constant 16 : i32
        %parallel_loop3A_545 = arith.muli %parallel_loop3A_543, %parallel_loop3A_544 : i32
        %parallel_loop3A_546 = arith.index_cast %parallel_loop3A_527 : i32 to index
        %parallel_loop3A_547 = arith.index_cast %parallel_loop3A_545 : i32 to index
        %parallel_loop3A_548 = tpu.vector_load %arg12[%parallel_loop3A_546, %parallel_loop3A_547] {strides = array<i32>} : memref<8x1024xf32, #tpu.memory_space<vmem>>, vector<1x16xf32>,
        %parallel_loop3A_549 = vector.shape_cast %parallel_loop3A_548 : vector<1x16xf32> to vector<16xf32>
        %parallel_loop3A_550 = arith.index_cast %parallel_loop3A_527 : i32 to index
        %parallel_loop3A_551 = arith.index_cast %parallel_loop3A_545 : i32 to index
        %parallel_loop3A_552 = tpu.vector_load %arg6[%parallel_loop3A_550, %parallel_loop3A_551] {strides = array<i32>} : memref<8x1024xf32, #tpu.memory_space<vmem>>, vector<1x16xf32>,
        %parallel_loop3A_553 = vector.shape_cast %parallel_loop3A_552 : vector<1x16xf32> to vector<16xf32>
        %parallel_loop3A_554 = arith.addf %parallel_loop3A_549, %parallel_loop3A_553 : vector<16xf32>
        %parallel_loop3A_555 = arith.index_cast %parallel_loop3A_527 : i32 to index
        %parallel_loop3A_556 = arith.index_cast %parallel_loop3A_545 : i32 to index
        %parallel_loop3A_557 = tpu.vector_load %arg16[%parallel_loop3A_555, %parallel_loop3A_556] {strides = array<i32>} : memref<8x1024xf32, #tpu.memory_space<vmem>>, vector<1x16xf32>,
        %parallel_loop3A_558 = vector.shape_cast %parallel_loop3A_557 : vector<1x16xf32> to vector<16xf32>
        %parallel_loop3A_559 = vector.shape_cast %parallel_loop3A_554 : vector<16xf32> to vector<1x16xf32>
        tpu.vector_store %arg16[%parallel_loop3A_555, %parallel_loop3A_556], %parallel_loop3A_559 {strides = array<i32>} : memref<8x1024xf32, #tpu.memory_space<vmem>>, vector<1x16xf32>,
      } {sc.loop_unroll_factor = 8 : i64, sc.parallel_access}
      %mul3A_396 = arith.constant 8 : i32
      %mul3A_397 = arith.muli %add3A_362, %mul3A_396 : i32
      %add3A_398 = arith.addi %mul3A_2, %mul3A_397 : i32
      %dma_start3A_399 = arith.constant 1 : i32
      %dma_start3A_400 = arith.constant 0 : i32
      %dma_start3A_401 = tpu.memref_slice %arg4[%dma_start3A_399, %add3A_398, %dma_start3A_400] : memref<4x8192x1024xf32, #tpu.memory_space<hbm>> -> memref<1x8x1024xf32, #tpu.memory_space<hbm>>
      %dma_start3A_402 = tpu.memref_squeeze %dma_start3A_401 : memref<1x8x1024xf32, #tpu.memory_space<hbm>> -> memref<8x1024xf32, #tpu.memory_space<hbm>>
      %dma_start3A_403 = arith.constant 0 : i32
      %dma_start3A_404 = tpu.memref_slice %arg4[%dma_start3A_399, %add3A_398, %dma_start3A_403] : memref<4x8192x1024xf32, #tpu.memory_space<hbm>> -> memref<1x8x1024xf32, #tpu.memory_space<hbm>>
      %dma_start3A_405 = tpu.memref_squeeze %dma_start3A_404 : memref<1x8x1024xf32, #tpu.memory_space<hbm>> -> memref<8x1024xf32, #tpu.memory_space<hbm>>
      tpu.enqueue_dma source(%arg16 : memref<8x1024xf32, #tpu.memory_space<vmem>>) target(%dma_start3A_405 : memref<8x1024xf32, #tpu.memory_space<hbm>>) target_semaphore(%arg30 : memref<!tpu.dma_semaphore, #tpu.memory_space<semaphore_mem>>)
      %add3A_406 = arith.constant 1 : i32
      %add3A_407 = arith.addi %add3A_120, %add3A_406 : i32
      %mul3A_408 = arith.constant 4 : i32
      %mul3A_409 = arith.muli %add3A_120, %mul3A_408 : i32
      %add3A_410 = arith.constant 6 : i32
      %add3A_411 = arith.addi %mul3A_409, %add3A_410 : i32
      %add3A_412 = arith.constant 3 : i32
      %add3A_413 = arith.addi %add3A_120, %add3A_412 : i32
      %add3A_414 = arith.constant 8 : i32
      %add3A_415 = arith.addi %add3A_411, %add3A_414 : i32
      %sub3A_416 = arith.constant 1 : i32
      %sub3A_417 = arith.subi %add3A_415, %sub3A_416 : i32
      %lt3A_418 = arith.constant 128 : i32
      %lt3A_419 = arith.cmpi slt, %sub3A_417, %lt3A_418 : i32
      %convert_element_type3A_420 = arith.extui %lt3A_419 : i1 to i32
      %cond3A_421 = arith.constant 0 : i32
      %cond3A_422 = arith.cmpi ne, %convert_element_type3A_420, %cond3A_421 : i32
      scf.if %cond3A_422 {
        %mul3A_503 = arith.constant 8 : i32
        %mul3A_504 = arith.muli %add3A_413, %mul3A_503 : i32
        %add3A_505 = arith.addi %mul3A_2, %mul3A_504 : i32
        %dma_start3A_506 = arith.constant 1 : i32
        %dma_start3A_507 = arith.constant 0 : i32
        %dma_start3A_508 = tpu.memref_slice %arg2[%dma_start3A_506, %add3A_505, %dma_start3A_507] : memref<4x8192x1024xf32, #tpu.memory_space<hbm>> -> memref<1x8x1024xf32, #tpu.memory_space<hbm>>
        %dma_start3A_509 = tpu.memref_squeeze %dma_start3A_508 : memref<1x8x1024xf32, #tpu.memory_space<hbm>> -> memref<8x1024xf32, #tpu.memory_space<hbm>>
        %dma_start3A_510 = arith.constant 0 : i32
        %dma_start3A_511 = tpu.memref_slice %arg2[%dma_start3A_506, %add3A_505, %dma_start3A_510] : memref<4x8192x1024xf32, #tpu.memory_space<hbm>> -> memref<1x8x1024xf32, #tpu.memory_space<hbm>>
        %dma_start3A_512 = tpu.memref_squeeze %dma_start3A_511 : memref<1x8x1024xf32, #tpu.memory_space<hbm>> -> memref<8x1024xf32, #tpu.memory_space<hbm>>
        tpu.enqueue_dma source(%dma_start3A_512 : memref<8x1024xf32, #tpu.memory_space<hbm>>) target(%arg12 : memref<8x1024xf32, #tpu.memory_space<vmem>>) target_semaphore(%arg26 : memref<!tpu.dma_semaphore, #tpu.memory_space<semaphore_mem>>)
      } else {
      }
      %mul3A_423 = arith.constant 8 : i32
      %mul3A_424 = arith.muli %add3A_407, %mul3A_423 : i32
      %add3A_425 = arith.addi %mul3A_2, %mul3A_424 : i32
      %dma_wait3A_426 = arith.constant 2 : i32
      %dma_wait3A_427 = arith.constant 0 : i32
      %dma_wait3A_428 = tpu.memref_slice %arg2[%dma_wait3A_426, %add3A_425, %dma_wait3A_427] : memref<4x8192x1024xf32, #tpu.memory_space<hbm>> -> memref<1x8x1024xf32, #tpu.memory_space<hbm>>
      %dma_wait3A_429 = tpu.memref_squeeze %dma_wait3A_428 : memref<1x8x1024xf32, #tpu.memory_space<hbm>> -> memref<8x1024xf32, #tpu.memory_space<hbm>>
      %dma_wait3A_430 = arith.constant 0 : i32
      %dma_wait3A_431 = tpu.memref_slice %arg2[%dma_wait3A_426, %add3A_425, %dma_wait3A_430] : memref<4x8192x1024xf32, #tpu.memory_space<hbm>> -> memref<1x8x1024xf32, #tpu.memory_space<hbm>>
      %dma_wait3A_432 = tpu.memref_squeeze %dma_wait3A_431 : memref<1x8x1024xf32, #tpu.memory_space<hbm>> -> memref<8x1024xf32, #tpu.memory_space<hbm>>
      tpu.wait_dma2 semaphore(%arg27 : memref<!tpu.dma_semaphore, #tpu.memory_space<semaphore_mem>>) src(%dma_wait3A_432 : memref<8x1024xf32, #tpu.memory_space<hbm>>) dst(%arg13 : memref<8x1024xf32, #tpu.memory_space<vmem>>)
      %ge3A_433 = arith.constant 4 : i32
      %ge3A_434 = arith.cmpi sge, %add3A_411, %ge3A_433 : i32
      %convert_element_type3A_435 = arith.extui %ge3A_434 : i1 to i32
      %cond3A_436 = arith.constant 0 : i32
      %cond3A_437 = arith.cmpi ne, %convert_element_type3A_435, %cond3A_436 : i32
      scf.if %cond3A_437 {
        %mul3A_503 = arith.constant 8 : i32
        %mul3A_504 = arith.muli %add3A_407, %mul3A_503 : i32
        %add3A_505 = arith.addi %mul3A_2, %mul3A_504 : i32
        %dma_wait3A_506 = arith.constant 2 : i32
        %dma_wait3A_507 = arith.constant 0 : i32
        %dma_wait3A_508 = tpu.memref_slice %arg4[%dma_wait3A_506, %add3A_505, %dma_wait3A_507] : memref<4x8192x1024xf32, #tpu.memory_space<hbm>> -> memref<1x8x1024xf32, #tpu.memory_space<hbm>>
        %dma_wait3A_509 = tpu.memref_squeeze %dma_wait3A_508 : memref<1x8x1024xf32, #tpu.memory_space<hbm>> -> memref<8x1024xf32, #tpu.memory_space<hbm>>
        %dma_wait3A_510 = arith.constant 0 : i32
        %dma_wait3A_511 = tpu.memref_slice %arg4[%dma_wait3A_506, %add3A_505, %dma_wait3A_510] : memref<4x8192x1024xf32, #tpu.memory_space<hbm>> -> memref<1x8x1024xf32, #tpu.memory_space<hbm>>
        %dma_wait3A_512 = tpu.memref_squeeze %dma_wait3A_511 : memref<1x8x1024xf32, #tpu.memory_space<hbm>> -> memref<8x1024xf32, #tpu.memory_space<hbm>>
        tpu.wait_dma2 semaphore(%arg31 : memref<!tpu.dma_semaphore, #tpu.memory_space<semaphore_mem>>) src(%arg17 : memref<8x1024xf32, #tpu.memory_space<vmem>>) dst(%dma_wait3A_512 : memref<8x1024xf32, #tpu.memory_space<hbm>>)
      } else {
      }
      %parallel_loop3A_438 = arith.constant 0 : i32
      %parallel_loop3A_439 = arith.constant 512 : i32
      %parallel_loop3A_440 = arith.constant 1 : i32
      scf.for %parallel_loop3A_503 = %parallel_loop3A_438 to %parallel_loop3A_439 step %parallel_loop3A_440  : i32 {
        %parallel_loop3A_504 = arith.constant 64 : i32
        %parallel_loop3A_505 = arith.divsi %parallel_loop3A_503, %parallel_loop3A_504 : i32
        %parallel_loop3A_506 = arith.constant 0 : i32
        %parallel_loop3A_507 = arith.cmpi sgt, %parallel_loop3A_503, %parallel_loop3A_506 : i32
        %parallel_loop3A_508 = arith.extui %parallel_loop3A_507 : i1 to i32
        %parallel_loop3A_509 = arith.constant 0 : i32
        %parallel_loop3A_510 = arith.cmpi slt, %parallel_loop3A_503, %parallel_loop3A_509 : i32
        %parallel_loop3A_511 = arith.extui %parallel_loop3A_510 : i1 to i32
        %parallel_loop3A_512 = arith.subi %parallel_loop3A_508, %parallel_loop3A_511 : i32
        %parallel_loop3A_513 = arith.constant 0 : i32
        %parallel_loop3A_514 = arith.cmpi sgt, %parallel_loop3A_504, %parallel_loop3A_513 : i32
        %parallel_loop3A_515 = arith.extui %parallel_loop3A_514 : i1 to i32
        %parallel_loop3A_516 = arith.constant 0 : i32
        %parallel_loop3A_517 = arith.cmpi slt, %parallel_loop3A_504, %parallel_loop3A_516 : i32
        %parallel_loop3A_518 = arith.extui %parallel_loop3A_517 : i1 to i32
        %parallel_loop3A_519 = arith.subi %parallel_loop3A_515, %parallel_loop3A_518 : i32
        %parallel_loop3A_520 = arith.cmpi ne, %parallel_loop3A_512, %parallel_loop3A_519 : i32
        %parallel_loop3A_521 = arith.remsi %parallel_loop3A_503, %parallel_loop3A_504 : i32
        %parallel_loop3A_522 = arith.constant 0 : i32
        %parallel_loop3A_523 = arith.cmpi ne, %parallel_loop3A_521, %parallel_loop3A_522 : i32
        %parallel_loop3A_524 = arith.andi %parallel_loop3A_520, %parallel_loop3A_523 : i1
        %parallel_loop3A_525 = arith.constant 1 : i32
        %parallel_loop3A_526 = arith.subi %parallel_loop3A_505, %parallel_loop3A_525 : i32
        %parallel_loop3A_527 = arith.select %parallel_loop3A_524, %parallel_loop3A_526, %parallel_loop3A_505 : i32
        %parallel_loop3A_528 = arith.constant 64 : i32
        %parallel_loop3A_529 = arith.constant 0 : i32
        %parallel_loop3A_530 = arith.cmpi eq, %parallel_loop3A_528, %parallel_loop3A_529 : i32
        %parallel_loop3A_531 = arith.constant 1 : i32
        %parallel_loop3A_532 = arith.select %parallel_loop3A_530, %parallel_loop3A_531, %parallel_loop3A_528 : i32
        %parallel_loop3A_533 = arith.remsi %parallel_loop3A_503, %parallel_loop3A_532 : i32
        %parallel_loop3A_534 = arith.constant 0 : i32
        %parallel_loop3A_535 = arith.cmpi ne, %parallel_loop3A_533, %parallel_loop3A_534 : i32
        %parallel_loop3A_536 = arith.constant 0 : i32
        %parallel_loop3A_537 = arith.cmpi slt, %parallel_loop3A_533, %parallel_loop3A_536 : i32
        %parallel_loop3A_538 = arith.constant 0 : i32
        %parallel_loop3A_539 = arith.cmpi slt, %parallel_loop3A_532, %parallel_loop3A_538 : i32
        %parallel_loop3A_540 = arith.xori %parallel_loop3A_537, %parallel_loop3A_539 : i1
        %parallel_loop3A_541 = arith.andi %parallel_loop3A_540, %parallel_loop3A_535 : i1
        %parallel_loop3A_542 = arith.addi %parallel_loop3A_533, %parallel_loop3A_532 : i32
        %parallel_loop3A_543 = arith.select %parallel_loop3A_541, %parallel_loop3A_542, %parallel_loop3A_533 : i32
        %parallel_loop3A_544 = arith.constant 16 : i32
        %parallel_loop3A_545 = arith.muli %parallel_loop3A_543, %parallel_loop3A_544 : i32
        %parallel_loop3A_546 = arith.index_cast %parallel_loop3A_527 : i32 to index
        %parallel_loop3A_547 = arith.index_cast %parallel_loop3A_545 : i32 to index
        %parallel_loop3A_548 = tpu.vector_load %arg13[%parallel_loop3A_546, %parallel_loop3A_547] {strides = array<i32>} : memref<8x1024xf32, #tpu.memory_space<vmem>>, vector<1x16xf32>,
        %parallel_loop3A_549 = vector.shape_cast %parallel_loop3A_548 : vector<1x16xf32> to vector<16xf32>
        %parallel_loop3A_550 = arith.index_cast %parallel_loop3A_527 : i32 to index
        %parallel_loop3A_551 = arith.index_cast %parallel_loop3A_545 : i32 to index
        %parallel_loop3A_552 = tpu.vector_load %arg6[%parallel_loop3A_550, %parallel_loop3A_551] {strides = array<i32>} : memref<8x1024xf32, #tpu.memory_space<vmem>>, vector<1x16xf32>,
        %parallel_loop3A_553 = vector.shape_cast %parallel_loop3A_552 : vector<1x16xf32> to vector<16xf32>
        %parallel_loop3A_554 = arith.addf %parallel_loop3A_549, %parallel_loop3A_553 : vector<16xf32>
        %parallel_loop3A_555 = arith.index_cast %parallel_loop3A_527 : i32 to index
        %parallel_loop3A_556 = arith.index_cast %parallel_loop3A_545 : i32 to index
        %parallel_loop3A_557 = tpu.vector_load %arg17[%parallel_loop3A_555, %parallel_loop3A_556] {strides = array<i32>} : memref<8x1024xf32, #tpu.memory_space<vmem>>, vector<1x16xf32>,
        %parallel_loop3A_558 = vector.shape_cast %parallel_loop3A_557 : vector<1x16xf32> to vector<16xf32>
        %parallel_loop3A_559 = vector.shape_cast %parallel_loop3A_554 : vector<16xf32> to vector<1x16xf32>
        tpu.vector_store %arg17[%parallel_loop3A_555, %parallel_loop3A_556], %parallel_loop3A_559 {strides = array<i32>} : memref<8x1024xf32, #tpu.memory_space<vmem>>, vector<1x16xf32>,
      } {sc.loop_unroll_factor = 8 : i64, sc.parallel_access}
      %mul3A_441 = arith.constant 8 : i32
      %mul3A_442 = arith.muli %add3A_407, %mul3A_441 : i32
      %add3A_443 = arith.addi %mul3A_2, %mul3A_442 : i32
      %dma_start3A_444 = arith.constant 2 : i32
      %dma_start3A_445 = arith.constant 0 : i32
      %dma_start3A_446 = tpu.memref_slice %arg4[%dma_start3A_444, %add3A_443, %dma_start3A_445] : memref<4x8192x1024xf32, #tpu.memory_space<hbm>> -> memref<1x8x1024xf32, #tpu.memory_space<hbm>>
      %dma_start3A_447 = tpu.memref_squeeze %dma_start3A_446 : memref<1x8x1024xf32, #tpu.memory_space<hbm>> -> memref<8x1024xf32, #tpu.memory_space<hbm>>
      %dma_start3A_448 = arith.constant 0 : i32
      %dma_start3A_449 = tpu.memref_slice %arg4[%dma_start3A_444, %add3A_443, %dma_start3A_448] : memref<4x8192x1024xf32, #tpu.memory_space<hbm>> -> memref<1x8x1024xf32, #tpu.memory_space<hbm>>
      %dma_start3A_450 = tpu.memref_squeeze %dma_start3A_449 : memref<1x8x1024xf32, #tpu.memory_space<hbm>> -> memref<8x1024xf32, #tpu.memory_space<hbm>>
      tpu.enqueue_dma source(%arg17 : memref<8x1024xf32, #tpu.memory_space<vmem>>) target(%dma_start3A_450 : memref<8x1024xf32, #tpu.memory_space<hbm>>) target_semaphore(%arg31 : memref<!tpu.dma_semaphore, #tpu.memory_space<semaphore_mem>>)
      %add3A_451 = arith.constant 1 : i32
      %add3A_452 = arith.addi %add3A_120, %add3A_451 : i32
      %mul3A_453 = arith.constant 4 : i32
      %mul3A_454 = arith.muli %add3A_120, %mul3A_453 : i32
      %add3A_455 = arith.constant 7 : i32
      %add3A_456 = arith.addi %mul3A_454, %add3A_455 : i32
      %add3A_457 = arith.constant 3 : i32
      %add3A_458 = arith.addi %add3A_120, %add3A_457 : i32
      %add3A_459 = arith.constant 8 : i32
      %add3A_460 = arith.addi %add3A_456, %add3A_459 : i32
      %sub3A_461 = arith.constant 1 : i32
      %sub3A_462 = arith.subi %add3A_460, %sub3A_461 : i32
      %lt3A_463 = arith.constant 128 : i32
      %lt3A_464 = arith.cmpi slt, %sub3A_462, %lt3A_463 : i32
      %convert_element_type3A_465 = arith.extui %lt3A_464 : i1 to i32
      %cond3A_466 = arith.constant 0 : i32
      %cond3A_467 = arith.cmpi ne, %convert_element_type3A_465, %cond3A_466 : i32
      scf.if %cond3A_467 {
        %mul3A_503 = arith.constant 8 : i32
        %mul3A_504 = arith.muli %add3A_458, %mul3A_503 : i32
        %add3A_505 = arith.addi %mul3A_2, %mul3A_504 : i32
        %dma_start3A_506 = arith.constant 2 : i32
        %dma_start3A_507 = arith.constant 0 : i32
        %dma_start3A_508 = tpu.memref_slice %arg2[%dma_start3A_506, %add3A_505, %dma_start3A_507] : memref<4x8192x1024xf32, #tpu.memory_space<hbm>> -> memref<1x8x1024xf32, #tpu.memory_space<hbm>>
        %dma_start3A_509 = tpu.memref_squeeze %dma_start3A_508 : memref<1x8x1024xf32, #tpu.memory_space<hbm>> -> memref<8x1024xf32, #tpu.memory_space<hbm>>
        %dma_start3A_510 = arith.constant 0 : i32
        %dma_start3A_511 = tpu.memref_slice %arg2[%dma_start3A_506, %add3A_505, %dma_start3A_510] : memref<4x8192x1024xf32, #tpu.memory_space<hbm>> -> memref<1x8x1024xf32, #tpu.memory_space<hbm>>
        %dma_start3A_512 = tpu.memref_squeeze %dma_start3A_511 : memref<1x8x1024xf32, #tpu.memory_space<hbm>> -> memref<8x1024xf32, #tpu.memory_space<hbm>>
        tpu.enqueue_dma source(%dma_start3A_512 : memref<8x1024xf32, #tpu.memory_space<hbm>>) target(%arg13 : memref<8x1024xf32, #tpu.memory_space<vmem>>) target_semaphore(%arg27 : memref<!tpu.dma_semaphore, #tpu.memory_space<semaphore_mem>>)
      } else {
      }
      %mul3A_468 = arith.constant 8 : i32
      %mul3A_469 = arith.muli %add3A_452, %mul3A_468 : i32
      %add3A_470 = arith.addi %mul3A_2, %mul3A_469 : i32
      %dma_wait3A_471 = arith.constant 3 : i32
      %dma_wait3A_472 = arith.constant 0 : i32
      %dma_wait3A_473 = tpu.memref_slice %arg2[%dma_wait3A_471, %add3A_470, %dma_wait3A_472] : memref<4x8192x1024xf32, #tpu.memory_space<hbm>> -> memref<1x8x1024xf32, #tpu.memory_space<hbm>>
      %dma_wait3A_474 = tpu.memref_squeeze %dma_wait3A_473 : memref<1x8x1024xf32, #tpu.memory_space<hbm>> -> memref<8x1024xf32, #tpu.memory_space<hbm>>
      %dma_wait3A_475 = arith.constant 0 : i32
      %dma_wait3A_476 = tpu.memref_slice %arg2[%dma_wait3A_471, %add3A_470, %dma_wait3A_475] : memref<4x8192x1024xf32, #tpu.memory_space<hbm>> -> memref<1x8x1024xf32, #tpu.memory_space<hbm>>
      %dma_wait3A_477 = tpu.memref_squeeze %dma_wait3A_476 : memref<1x8x1024xf32, #tpu.memory_space<hbm>> -> memref<8x1024xf32, #tpu.memory_space<hbm>>
      tpu.wait_dma2 semaphore(%arg28 : memref<!tpu.dma_semaphore, #tpu.memory_space<semaphore_mem>>) src(%dma_wait3A_477 : memref<8x1024xf32, #tpu.memory_space<hbm>>) dst(%arg14 : memref<8x1024xf32, #tpu.memory_space<vmem>>)
      %ge3A_478 = arith.constant 4 : i32
      %ge3A_479 = arith.cmpi sge, %add3A_456, %ge3A_478 : i32
      %convert_element_type3A_480 = arith.extui %ge3A_479 : i1 to i32
      %cond3A_481 = arith.constant 0 : i32
      %cond3A_482 = arith.cmpi ne, %convert_element_type3A_480, %cond3A_481 : i32
      scf.if %cond3A_482 {
        %mul3A_503 = arith.constant 8 : i32
        %mul3A_504 = arith.muli %add3A_452, %mul3A_503 : i32
        %add3A_505 = arith.addi %mul3A_2, %mul3A_504 : i32
        %dma_wait3A_506 = arith.constant 3 : i32
        %dma_wait3A_507 = arith.constant 0 : i32
        %dma_wait3A_508 = tpu.memref_slice %arg4[%dma_wait3A_506, %add3A_505, %dma_wait3A_507] : memref<4x8192x1024xf32, #tpu.memory_space<hbm>> -> memref<1x8x1024xf32, #tpu.memory_space<hbm>>
        %dma_wait3A_509 = tpu.memref_squeeze %dma_wait3A_508 : memref<1x8x1024xf32, #tpu.memory_space<hbm>> -> memref<8x1024xf32, #tpu.memory_space<hbm>>
        %dma_wait3A_510 = arith.constant 0 : i32
        %dma_wait3A_511 = tpu.memref_slice %arg4[%dma_wait3A_506, %add3A_505, %dma_wait3A_510] : memref<4x8192x1024xf32, #tpu.memory_space<hbm>> -> memref<1x8x1024xf32, #tpu.memory_space<hbm>>
        %dma_wait3A_512 = tpu.memref_squeeze %dma_wait3A_511 : memref<1x8x1024xf32, #tpu.memory_space<hbm>> -> memref<8x1024xf32, #tpu.memory_space<hbm>>
        tpu.wait_dma2 semaphore(%arg32 : memref<!tpu.dma_semaphore, #tpu.memory_space<semaphore_mem>>) src(%arg18 : memref<8x1024xf32, #tpu.memory_space<vmem>>) dst(%dma_wait3A_512 : memref<8x1024xf32, #tpu.memory_space<hbm>>)
      } else {
      }
      %parallel_loop3A_483 = arith.constant 0 : i32
      %parallel_loop3A_484 = arith.constant 512 : i32
      %parallel_loop3A_485 = arith.constant 1 : i32
      scf.for %parallel_loop3A_503 = %parallel_loop3A_483 to %parallel_loop3A_484 step %parallel_loop3A_485  : i32 {
        %parallel_loop3A_504 = arith.constant 64 : i32
        %parallel_loop3A_505 = arith.divsi %parallel_loop3A_503, %parallel_loop3A_504 : i32
        %parallel_loop3A_506 = arith.constant 0 : i32
        %parallel_loop3A_507 = arith.cmpi sgt, %parallel_loop3A_503, %parallel_loop3A_506 : i32
        %parallel_loop3A_508 = arith.extui %parallel_loop3A_507 : i1 to i32
        %parallel_loop3A_509 = arith.constant 0 : i32
        %parallel_loop3A_510 = arith.cmpi slt, %parallel_loop3A_503, %parallel_loop3A_509 : i32
        %parallel_loop3A_511 = arith.extui %parallel_loop3A_510 : i1 to i32
        %parallel_loop3A_512 = arith.subi %parallel_loop3A_508, %parallel_loop3A_511 : i32
        %parallel_loop3A_513 = arith.constant 0 : i32
        %parallel_loop3A_514 = arith.cmpi sgt, %parallel_loop3A_504, %parallel_loop3A_513 : i32
        %parallel_loop3A_515 = arith.extui %parallel_loop3A_514 : i1 to i32
        %parallel_loop3A_516 = arith.constant 0 : i32
        %parallel_loop3A_517 = arith.cmpi slt, %parallel_loop3A_504, %parallel_loop3A_516 : i32
        %parallel_loop3A_518 = arith.extui %parallel_loop3A_517 : i1 to i32
        %parallel_loop3A_519 = arith.subi %parallel_loop3A_515, %parallel_loop3A_518 : i32
        %parallel_loop3A_520 = arith.cmpi ne, %parallel_loop3A_512, %parallel_loop3A_519 : i32
        %parallel_loop3A_521 = arith.remsi %parallel_loop3A_503, %parallel_loop3A_504 : i32
        %parallel_loop3A_522 = arith.constant 0 : i32
        %parallel_loop3A_523 = arith.cmpi ne, %parallel_loop3A_521, %parallel_loop3A_522 : i32
        %parallel_loop3A_524 = arith.andi %parallel_loop3A_520, %parallel_loop3A_523 : i1
        %parallel_loop3A_525 = arith.constant 1 : i32
        %parallel_loop3A_526 = arith.subi %parallel_loop3A_505, %parallel_loop3A_525 : i32
        %parallel_loop3A_527 = arith.select %parallel_loop3A_524, %parallel_loop3A_526, %parallel_loop3A_505 : i32
        %parallel_loop3A_528 = arith.constant 64 : i32
        %parallel_loop3A_529 = arith.constant 0 : i32
        %parallel_loop3A_530 = arith.cmpi eq, %parallel_loop3A_528, %parallel_loop3A_529 : i32
        %parallel_loop3A_531 = arith.constant 1 : i32
        %parallel_loop3A_532 = arith.select %parallel_loop3A_530, %parallel_loop3A_531, %parallel_loop3A_528 : i32
        %parallel_loop3A_533 = arith.remsi %parallel_loop3A_503, %parallel_loop3A_532 : i32
        %parallel_loop3A_534 = arith.constant 0 : i32
        %parallel_loop3A_535 = arith.cmpi ne, %parallel_loop3A_533, %parallel_loop3A_534 : i32
        %parallel_loop3A_536 = arith.constant 0 : i32
        %parallel_loop3A_537 = arith.cmpi slt, %parallel_loop3A_533, %parallel_loop3A_536 : i32
        %parallel_loop3A_538 = arith.constant 0 : i32
        %parallel_loop3A_539 = arith.cmpi slt, %parallel_loop3A_532, %parallel_loop3A_538 : i32
        %parallel_loop3A_540 = arith.xori %parallel_loop3A_537, %parallel_loop3A_539 : i1
        %parallel_loop3A_541 = arith.andi %parallel_loop3A_540, %parallel_loop3A_535 : i1
        %parallel_loop3A_542 = arith.addi %parallel_loop3A_533, %parallel_loop3A_532 : i32
        %parallel_loop3A_543 = arith.select %parallel_loop3A_541, %parallel_loop3A_542, %parallel_loop3A_533 : i32
        %parallel_loop3A_544 = arith.constant 16 : i32
        %parallel_loop3A_545 = arith.muli %parallel_loop3A_543, %parallel_loop3A_544 : i32
        %parallel_loop3A_546 = arith.index_cast %parallel_loop3A_527 : i32 to index
        %parallel_loop3A_547 = arith.index_cast %parallel_loop3A_545 : i32 to index
        %parallel_loop3A_548 = tpu.vector_load %arg14[%parallel_loop3A_546, %parallel_loop3A_547] {strides = array<i32>} : memref<8x1024xf32, #tpu.memory_space<vmem>>, vector<1x16xf32>,
        %parallel_loop3A_549 = vector.shape_cast %parallel_loop3A_548 : vector<1x16xf32> to vector<16xf32>
        %parallel_loop3A_550 = arith.index_cast %parallel_loop3A_527 : i32 to index
        %parallel_loop3A_551 = arith.index_cast %parallel_loop3A_545 : i32 to index
        %parallel_loop3A_552 = tpu.vector_load %arg6[%parallel_loop3A_550, %parallel_loop3A_551] {strides = array<i32>} : memref<8x1024xf32, #tpu.memory_space<vmem>>, vector<1x16xf32>,
        %parallel_loop3A_553 = vector.shape_cast %parallel_loop3A_552 : vector<1x16xf32> to vector<16xf32>
        %parallel_loop3A_554 = arith.addf %parallel_loop3A_549, %parallel_loop3A_553 : vector<16xf32>
        %parallel_loop3A_555 = arith.index_cast %parallel_loop3A_527 : i32 to index
        %parallel_loop3A_556 = arith.index_cast %parallel_loop3A_545 : i32 to index
        %parallel_loop3A_557 = tpu.vector_load %arg18[%parallel_loop3A_555, %parallel_loop3A_556] {strides = array<i32>} : memref<8x1024xf32, #tpu.memory_space<vmem>>, vector<1x16xf32>,
        %parallel_loop3A_558 = vector.shape_cast %parallel_loop3A_557 : vector<1x16xf32> to vector<16xf32>
        %parallel_loop3A_559 = vector.shape_cast %parallel_loop3A_554 : vector<16xf32> to vector<1x16xf32>
        tpu.vector_store %arg18[%parallel_loop3A_555, %parallel_loop3A_556], %parallel_loop3A_559 {strides = array<i32>} : memref<8x1024xf32, #tpu.memory_space<vmem>>, vector<1x16xf32>,
      } {sc.loop_unroll_factor = 8 : i64, sc.parallel_access}
      %mul3A_486 = arith.constant 8 : i32
      %mul3A_487 = arith.muli %add3A_452, %mul3A_486 : i32
      %add3A_488 = arith.addi %mul3A_2, %mul3A_487 : i32
      %dma_start3A_489 = arith.constant 3 : i32
      %dma_start3A_490 = arith.constant 0 : i32
      %dma_start3A_491 = tpu.memref_slice %arg4[%dma_start3A_489, %add3A_488, %dma_start3A_490] : memref<4x8192x1024xf32, #tpu.memory_space<hbm>> -> memref<1x8x1024xf32, #tpu.memory_space<hbm>>
      %dma_start3A_492 = tpu.memref_squeeze %dma_start3A_491 : memref<1x8x1024xf32, #tpu.memory_space<hbm>> -> memref<8x1024xf32, #tpu.memory_space<hbm>>
      %dma_start3A_493 = arith.constant 0 : i32
      %dma_start3A_494 = tpu.memref_slice %arg4[%dma_start3A_489, %add3A_488, %dma_start3A_493] : memref<4x8192x1024xf32, #tpu.memory_space<hbm>> -> memref<1x8x1024xf32, #tpu.memory_space<hbm>>
      %dma_start3A_495 = tpu.memref_squeeze %dma_start3A_494 : memref<1x8x1024xf32, #tpu.memory_space<hbm>> -> memref<8x1024xf32, #tpu.memory_space<hbm>>
      tpu.enqueue_dma source(%arg18 : memref<8x1024xf32, #tpu.memory_space<vmem>>) target(%dma_start3A_495 : memref<8x1024xf32, #tpu.memory_space<hbm>>) target_semaphore(%arg32 : memref<!tpu.dma_semaphore, #tpu.memory_space<semaphore_mem>>)
      %add3A_496 = arith.constant 2 : i32
      %add3A_497 = arith.addi %add3A_452, %add3A_496 : i32
      %lt3A_498 = arith.constant 32 : i32
      %lt3A_499 = arith.cmpi slt, %add3A_497, %lt3A_498 : i32
      %convert_element_type3A_500 = arith.extui %lt3A_499 : i1 to i32
      %cond3A_501 = arith.constant 0 : i32
      %cond3A_502 = arith.cmpi ne, %convert_element_type3A_500, %cond3A_501 : i32
      scf.if %cond3A_502 {
        %add3A_503 = arith.constant 2 : i32
        %add3A_504 = arith.addi %add3A_452, %add3A_503 : i32
        %mul3A_505 = arith.constant 8 : i32
        %mul3A_506 = arith.muli %add3A_504, %mul3A_505 : i32
        %add3A_507 = arith.addi %mul3A_2, %mul3A_506 : i32
        %dma_start3A_508 = arith.constant 0 : i32
        %dma_start3A_509 = tpu.memref_slice %arg3[%add3A_507, %dma_start3A_508] : memref<8192x1024xf32, #tpu.memory_space<hbm>> -> memref<8x1024xf32, #tpu.memory_space<hbm>>
        %dma_start3A_510 = arith.constant 0 : i32
        %dma_start3A_511 = tpu.memref_slice %arg3[%add3A_507, %dma_start3A_510] : memref<8192x1024xf32, #tpu.memory_space<hbm>> -> memref<8x1024xf32, #tpu.memory_space<hbm>>
        tpu.enqueue_dma source(%dma_start3A_511 : memref<8x1024xf32, #tpu.memory_space<hbm>>) target(%arg6 : memref<8x1024xf32, #tpu.memory_space<vmem>>) target_semaphore(%arg20 : memref<!tpu.dma_semaphore, #tpu.memory_space<semaphore_mem>>)
      } else {
      }
    }
    %scan3A_80 = arith.constant 16 : i32
    %add3A_81 = arith.constant 248 : i32
    %add3A_82 = arith.addi %mul3A_2, %add3A_81 : i32
    %dma_wait3A = arith.constant 0 : i32
    %dma_wait3A_83 = arith.constant 0 : i32
    %dma_wait3A_84 = tpu.memref_slice %arg4[%dma_wait3A, %add3A_82, %dma_wait3A_83] : memref<4x8192x1024xf32, #tpu.memory_space<hbm>> -> memref<1x8x1024xf32, #tpu.memory_space<hbm>>
    %dma_wait3A_85 = tpu.memref_squeeze %dma_wait3A_84 : memref<1x8x1024xf32, #tpu.memory_space<hbm>> -> memref<8x1024xf32, #tpu.memory_space<hbm>>
    %dma_wait3A_86 = arith.constant 0 : i32
    %dma_wait3A_87 = tpu.memref_slice %arg4[%dma_wait3A, %add3A_82, %dma_wait3A_86] : memref<4x8192x1024xf32, #tpu.memory_space<hbm>> -> memref<1x8x1024xf32, #tpu.memory_space<hbm>>
    %dma_wait3A_88 = tpu.memref_squeeze %dma_wait3A_87 : memref<1x8x1024xf32, #tpu.memory_space<hbm>> -> memref<8x1024xf32, #tpu.memory_space<hbm>>
    tpu.wait_dma2 semaphore(%arg29 : memref<!tpu.dma_semaphore, #tpu.memory_space<semaphore_mem>>) src(%arg15 : memref<8x1024xf32, #tpu.memory_space<vmem>>) dst(%dma_wait3A_88 : memref<8x1024xf32, #tpu.memory_space<hbm>>)
    %add3A_89 = arith.constant 248 : i32
    %add3A_90 = arith.addi %mul3A_2, %add3A_89 : i32
    %dma_wait3A_91 = arith.constant 1 : i32
    %dma_wait3A_92 = arith.constant 0 : i32
    %dma_wait3A_93 = tpu.memref_slice %arg4[%dma_wait3A_91, %add3A_90, %dma_wait3A_92] : memref<4x8192x1024xf32, #tpu.memory_space<hbm>> -> memref<1x8x1024xf32, #tpu.memory_space<hbm>>
    %dma_wait3A_94 = tpu.memref_squeeze %dma_wait3A_93 : memref<1x8x1024xf32, #tpu.memory_space<hbm>> -> memref<8x1024xf32, #tpu.memory_space<hbm>>
    %dma_wait3A_95 = arith.constant 0 : i32
    %dma_wait3A_96 = tpu.memref_slice %arg4[%dma_wait3A_91, %add3A_90, %dma_wait3A_95] : memref<4x8192x1024xf32, #tpu.memory_space<hbm>> -> memref<1x8x1024xf32, #tpu.memory_space<hbm>>
    %dma_wait3A_97 = tpu.memref_squeeze %dma_wait3A_96 : memref<1x8x1024xf32, #tpu.memory_space<hbm>> -> memref<8x1024xf32, #tpu.memory_space<hbm>>
    tpu.wait_dma2 semaphore(%arg30 : memref<!tpu.dma_semaphore, #tpu.memory_space<semaphore_mem>>) src(%arg16 : memref<8x1024xf32, #tpu.memory_space<vmem>>) dst(%dma_wait3A_97 : memref<8x1024xf32, #tpu.memory_space<hbm>>)
    %add3A_98 = arith.constant 248 : i32
    %add3A_99 = arith.addi %mul3A_2, %add3A_98 : i32
    %dma_wait3A_100 = arith.constant 2 : i32
    %dma_wait3A_101 = arith.constant 0 : i32
    %dma_wait3A_102 = tpu.memref_slice %arg4[%dma_wait3A_100, %add3A_99, %dma_wait3A_101] : memref<4x8192x1024xf32, #tpu.memory_space<hbm>> -> memref<1x8x1024xf32, #tpu.memory_space<hbm>>
    %dma_wait3A_103 = tpu.memref_squeeze %dma_wait3A_102 : memref<1x8x1024xf32, #tpu.memory_space<hbm>> -> memref<8x1024xf32, #tpu.memory_space<hbm>>
    %dma_wait3A_104 = arith.constant 0 : i32
    %dma_wait3A_105 = tpu.memref_slice %arg4[%dma_wait3A_100, %add3A_99, %dma_wait3A_104] : memref<4x8192x1024xf32, #tpu.memory_space<hbm>> -> memref<1x8x1024xf32, #tpu.memory_space<hbm>>
    %dma_wait3A_106 = tpu.memref_squeeze %dma_wait3A_105 : memref<1x8x1024xf32, #tpu.memory_space<hbm>> -> memref<8x1024xf32, #tpu.memory_space<hbm>>
    tpu.wait_dma2 semaphore(%arg31 : memref<!tpu.dma_semaphore, #tpu.memory_space<semaphore_mem>>) src(%arg17 : memref<8x1024xf32, #tpu.memory_space<vmem>>) dst(%dma_wait3A_106 : memref<8x1024xf32, #tpu.memory_space<hbm>>)
    %add3A_107 = arith.constant 248 : i32
    %add3A_108 = arith.addi %mul3A_2, %add3A_107 : i32
    %dma_wait3A_109 = arith.constant 3 : i32
    %dma_wait3A_110 = arith.constant 0 : i32
    %dma_wait3A_111 = tpu.memref_slice %arg4[%dma_wait3A_109, %add3A_108, %dma_wait3A_110] : memref<4x8192x1024xf32, #tpu.memory_space<hbm>> -> memref<1x8x1024xf32, #tpu.memory_space<hbm>>
    %dma_wait3A_112 = tpu.memref_squeeze %dma_wait3A_111 : memref<1x8x1024xf32, #tpu.memory_space<hbm>> -> memref<8x1024xf32, #tpu.memory_space<hbm>>
    %dma_wait3A_113 = arith.constant 0 : i32
    %dma_wait3A_114 = tpu.memref_slice %arg4[%dma_wait3A_109, %add3A_108, %dma_wait3A_113] : memref<4x8192x1024xf32, #tpu.memory_space<hbm>> -> memref<1x8x1024xf32, #tpu.memory_space<hbm>>
    %dma_wait3A_115 = tpu.memref_squeeze %dma_wait3A_114 : memref<1x8x1024xf32, #tpu.memory_space<hbm>> -> memref<8x1024xf32, #tpu.memory_space<hbm>>
    tpu.wait_dma2 semaphore(%arg32 : memref<!tpu.dma_semaphore, #tpu.memory_space<semaphore_mem>>) src(%arg18 : memref<8x1024xf32, #tpu.memory_space<vmem>>) dst(%dma_wait3A_115 : memref<8x1024xf32, #tpu.memory_space<hbm>>)
    return
  }
}

</mosaic_0001>

<sc_bundles>
// kernel: kernel.3.cloned.1.call-start
scs
__scs_entry_jumppad:
0x0: {  	(pc) =	sbr.rel $0x88, $3  }
0x1: {  	(tag) =	ssettag $0x0;
	lr =	simm.s32 $0x1  }
0x2: {  	[smem:$0x3F9F] =	sst lr;
	_ =	strace $0xD0000000  }
0x3: {  	_ = 	snop  }
0x4: {  	_ = 	snop  }
0x5: {  	_ = 	snop  }
0x6: {  	_ = 	snop  }
0x7: {  	_ = 	snop  }
__scs_overlays_trampoline_lowered:
0x8: {  	[smem:$0x3FAE] =	sst s0  }
0x9: {  	[smem:$0x3FAF] =	sst s1  }
0xa: {  	[smem:$0x3FB0] =	sst s2  }
0xb: {  	[smem:$0x3FB1] =	sst s3  }
0xc: {  	[smem:$0x3FB2] =	sst s4  }
0xd: {  	[smem:$0x3FB3] =	sst s5  }
0xe: {  	[smem:$0x3FB4] =	sst s6  }
0xf: {  	[smem:$0x3FB5] =	sst s7  }
0x10: {  	[smem:$0x3FB6] =	sst s8  }
0x11: {  	[smem:$0x3FB7] =	sst s9;
	s0 =	simm.s32 @!p0 $0x0  }
0x12: {  	s1 =	sld [smem:$0x3F9D];
	s0 =	simm.s32 @p0 $0x1  }
0x13: {  	[smem:$0x3FB8] =	sst s0;
	s0 =	simm.s32 @!p1 $0x0  }
0x14: {  	s2 =	sld [smem:$0x3F9C];
	s0 =	simm.s32 @p1 $0x1  }
0x15: {  	[smem:$0x3FB9] =	sst s0;
	s0 =	simm.s32 @!p2 $0x0  }
0x16: {  	s3 =	sld [smem:$0x3FDB];
	s0 =	simm.s32 @p2 $0x1  }
0x17: {  	s4 =	simm.s32 $0x1BF5;
	[smem:$0x3FBB] =	sst s0  }
0x18: {  	s0 =	sld [smem:$0x3F9E];
	_ =	swait.ge [sflag:s4], $0x0  }
0x19: {  	s7 =	sld [smem:$0x3F9F]  }
0x1a: {  	s8 =	sadd.s32 $0xFFFFE003, lr  }
0x1b: {  	s9 =	sadd.s32 $0xFFFFFEF7, lr;
	s5 =	simm.s32 $0xFFFFFFFF;
	p2 =	slt.u32 s8, $0xFFFFF086  }
0x1c: {  	p1 =	slt.u32 s9, $0xF7A;
	s5 =	simm.s32 @!p2 $0x0  }
0x1d: {  	s5 =	simm.s32 @p1 $0x1;
	p0 =	seq.s32 s7, s2  }
0x1e: {  	s7 =	smul.u32 @!p0 $0xF7A, s2;
	p2 =	seq.s32 @!p0 s5, $0x0  }
0x1f: {  	s9 =	smul.u32 $0xF7A, s1;
	s8 =	simm.s32 @!p0 $0x1BF5;
	p2 =	por !p2, p0  }
0x20: {  	[sflag:s8] =	ssyncset.s32 @!p0 $0xFFFFF086;
	s6 =	sadd.s32 @!p0 s3, s7;
	s7 =	simm.s32 @!p0 $0x108  }
0x21: {  	s3 =	sadd.s32 s3, s9;
	s6 =	sadd.s32 @!p0 $0x88, s6;
	s7 =	simm.s32 @p2 $0x1082  }
0x22: {  	[simem:s7], [sflag:s8] =	dma.local @!p0 [hbm:s6], $0xF7A  }
0x23: {  	s9 =	sor.u32 $0xD0000000, s2;
	s6 =	simm.s32 $0x108;
	_ =	swait.ge @!p0 [sflag:s8], $0x0  }
0x24: {  	s3 =	sadd.s32 $0x88, s3;
	s6 =	simm.s32 @!p1 $0x1082;
	[sflag:s4] =	ssyncset.s32 $0xFFFFF086  }
0x25: {  	[simem:s6], [sflag:s4] =	dma.local [hbm:s3], $0xF7A  }
0x26: {  	[smem:$0x3F9F] =	sst s1;
	(tag) =	ssettag s2;
	_ =	strace s9  }
0x27: {  	s1 =	sld [smem:$0x3FAF]  }
0x28: {  	s2 =	sld [smem:$0x3FB0]  }
0x29: {  	s4 =	sld [smem:$0x3FB2]  }
0x2a: {  	p0 =	seq.s32 s5, $0x0;
	s5 =	sld [smem:$0x3FB3]  }
0x2b: {  	s6 =	sld [smem:$0x3FB4]  }
0x2c: {  	s7 =	sld [smem:$0x3FB5]  }
0x2d: {  	s3 =	simm.s32 $0x108;
	s8 =	sld [smem:$0x3FB6]  }
0x2e: {  	s3 =	simm.s32 @!p0 $0x1082;
	s9 =	sld [smem:$0x3FB7]  }
0x2f: {  	lr =	sadd.s32 s0, s3;
	s0 =	sld [smem:$0x3FAE]  }
0x30: {  	s3 =	sld [smem:$0x3FB1]  }
0x31: {  	[smem:$0x3FBA] =	sst s10  }
0x32: {  	s10 =	sld [smem:$0x3FB8];
	_ =	sdelay $0x3  }
0x33: {  	p0 =	seq.s32 s10, $0x1;
	s10 =	sld [smem:$0x3FBA];
	_ =	sdelay $0x3  }
0x34: {  	[smem:$0x3FBA] =	sst s10  }
0x35: {  	s10 =	sld [smem:$0x3FB9];
	_ =	sdelay $0x3  }
0x36: {  	p1 =	seq.s32 s10, $0x1;
	s10 =	sld [smem:$0x3FBA];
	_ =	sdelay $0x3  }
0x37: {  	[smem:$0x3FBA] =	sst s10  }
0x38: {  	s10 =	sld [smem:$0x3FBB]  }
0x39: {  	_ = 	snop;
	(pc) =	sbr.ind lr, $3  }
0x3a: {  	_ = 	snop  }
0x3b: {  	_ = 	snop  }
0x3c: {  	p2 =	seq.s32 s10, $0x1;
	s10 =	sld [smem:$0x3FBA]  }
0x3d: {  	_ =	shalt  }
0x3e: {  	_ =	shalt  }
0x3f: {  	_ =	shalt  }
0x40: {  	_ =	shalt  }
0x41: {  	_ =	shalt  }
0x42: {  	_ =	shalt  }
0x43: {  	_ =	shalt  }
0x44: {  	_ =	shalt  }
0x45: {  	_ =	shalt  }
0x46: {  	_ =	shalt  }
0x47: {  	_ =	shalt  }
0x48: {  	_ =	shalt  }
0x49: {  	_ =	shalt  }
0x4a: {  	_ =	shalt  }
0x4b: {  	_ =	shalt  }
0x4c: {  	_ =	shalt  }
0x4d: {  	_ =	shalt  }
0x4e: {  	_ =	shalt  }
0x4f: {  	_ =	shalt  }
0x50: {  	_ =	shalt  }
0x51: {  	_ =	shalt  }
0x52: {  	_ =	shalt  }
0x53: {  	_ =	shalt  }
0x54: {  	_ =	shalt  }
0x55: {  	_ =	shalt  }
0x56: {  	_ =	shalt  }
0x57: {  	_ =	shalt  }
0x58: {  	_ =	shalt  }
0x59: {  	_ =	shalt  }
0x5a: {  	_ =	shalt  }
0x5b: {  	_ =	shalt  }
0x5c: {  	_ =	shalt  }
0x5d: {  	_ =	shalt  }
0x5e: {  	_ =	shalt  }
0x5f: {  	_ =	shalt  }
0x60: {  	_ =	shalt  }
0x61: {  	_ =	shalt  }
0x62: {  	_ =	shalt  }
0x63: {  	_ =	shalt  }
0x64: {  	_ =	shalt  }
0x65: {  	_ =	shalt  }
0x66: {  	_ =	shalt  }
0x67: {  	_ =	shalt  }
0x68: {  	_ =	shalt  }
0x69: {  	_ =	shalt  }
0x6a: {  	_ =	shalt  }
0x6b: {  	_ =	shalt  }
0x6c: {  	_ =	shalt  }
0x6d: {  	_ =	shalt  }
0x6e: {  	_ =	shalt  }
0x6f: {  	_ =	shalt  }
0x70: {  	_ =	shalt  }
0x71: {  	_ =	shalt  }
0x72: {  	_ =	shalt  }
0x73: {  	_ =	shalt  }
0x74: {  	_ =	shalt  }
0x75: {  	_ =	shalt  }
0x76: {  	_ =	shalt  }
0x77: {  	_ =	shalt  }
0x78: {  	_ =	shalt  }
0x79: {  	_ =	shalt  }
0x7a: {  	_ =	shalt  }
0x7b: {  	_ =	shalt  }
0x7c: {  	_ =	shalt  }
0x7d: {  	_ =	shalt  }
0x7e: {  	_ =	shalt  }
0x7f: {  	_ =	shalt  }
0x80: {  	_ =	shalt  }
0x81: {  	_ =	shalt  }
0x82: {  	_ =	shalt  }
0x83: {  	_ =	shalt  }
0x84: {  	_ =	shalt  }
0x85: {  	_ =	shalt  }
0x86: {  	_ =	shalt  }
0x87: {  	_ =	shalt  }
.Lfunc_end0:
.L_simem_size_0:
called_computation_lowered:
.L_overlay_start_0:
0x88: {  	s2 =	sld [smem:$0x3FD9]  }
0x89: {  	s3 =	sld [smem:$0x3FFE];
	_ =	sdelay $0x1  }
0x8a: {  	s1 =	srdreg.scid  }
0x8b: {  	s0 =	sand.u32 $0x1, s1  }
0x8c: {  	s18 =	sshll.u32 s0, $0xA;
	s2 =	sadd.s32 s3, s2  }
0x8d: {  	s2 =	sadd.s32 s2, s18  }
0x8e: {  	[smem:$0x3FC6] =	sst s2  }
0x8f: {  	_ = 	snop  }
0x90: {  	s2 =	sld [smem:$0x3FC9]  }
0x91: {  	s19 =	sld [smem:$0x3FC8]  }
0x92: {  	s4 =	sld [smem:$0x3FD0];
	(tm) =	ssettm $0x1  }
0x93: {  	s5 =	sld [smem:$0x3FFB];
	_ =	sdelay $0x3  }
0x94: {  	_ =	strace s5  }
0x95: {  	s5 =	sld [smem:$0x3FFC];
	_ =	sdelay $0x3  }
0x96: {  	_ =	strace s5  }
0x97: {  	s5 =	sld [smem:$0x3FFD];
	_ =	sdelay $0x3  }
0x98: {  	_ =	strace s5  }
0x99: {  	_ =	strace $0x8FFFFFFF  }
0x9a: {  	s20 =	sld [smem:$0x3FDB];
	_ =	sdelay $0x1  }
0x9b: {  	s6 =	simm.s32 $_scs_section_size  }
0x9c: {  	s7 =	simm.s32 $_size__tile_overlayer_lowered;
	s8 =	simm.s32 $_tile_overlayer_lowered  }
0x9d: {  	s23 =	simm.s32 $0x1BFF;
	s22 =	sshll.u32 s8, $0x1;
	s5 =	sadd.s32 s6, s20  }
0x9e: {  	s9 =	simm.s32 $0x0;
	s21 =	sshll.u32 s7, $0x1;
	s7 =	sadd.s32 s22, s5  }
0x9f: {  	[timem:s9], [sflag:s23] =	dma.local [hbm:s7], s21  }
0xa0: {  	_ =	swait.ge [sflag:s23], s21  }
0xa1: {  	s6 =	ssub.s32 $0x0, s21;
	[sflag:s23] =	ssyncset.done $0x0  }
0xa2: {  	[sflag:s23] =	ssyncadd.s32 s6;
	_ =	sdelay $0x1  }
0xa3: {  	s24 =	simm.s32 $0x1B8B  }
0xa4: {  	_ =	swait.ge [sflag:s24], $0x1  }
0xa5: {  	[sflag:s24] =	ssyncset.done $0x0  }
0xa6: {  	s25 =	simm.s32 $0x1B8E;
	[sflag:s24] =	ssyncadd.s32 $0xFFFFFFFF  }
0xa7: {  	s26 =	simm.s32 $execute0_lowered;
	[smem:$0x3FD2] =	sst s25  }
0xa8: {  	s6 =	sshll.u32 s26, $0x1;
	_ =	strace $0x80000046;
	[dreg:$0x1] =	wrdreg $0xFFFFFFFF  }
0xa9: {  	s28 =	simm.s32 $_size_execute0_lowered;
	s5 =	sadd.s32 s5, s6;
	[dreg:$0x0] =	wrdreg $0x0  }
0xaa: {  	s6 =	sshll.u32 s28, $0x1;
	[dreg:$0x2] =	wrdreg s5  }
0xab: {  	[dreg:$0x3] =	wrdreg s6  }
0xac: {  	[dreg:$0x4] =	wrdreg $0xC0  }
0xad: {  	_ =	task [dreg:s9], $0x5FFFF  }
0xae: {  	[dreg:$0x1] =	wrdreg $0xFFFFFFFF  }
0xaf: {  	[dreg:$0x0] =	wrdreg $0x60  }
0xb0: {  	[dreg:$0x2] =	wrdreg s2  }
0xb1: {  	[dreg:$0x3] =	wrdreg s19  }
0xb2: {  	[dreg:$0x4] =	wrdreg s4  }
0xb3: {  	[dreg:$0x5] =	wrdreg $0x9  }
0xb4: {  	_ =	task.clear_ibuf [dreg:s9], $0x6FFFF;
	_ =	strace $0x90000046  }
0xb5: {  	s29 =	simm.s32 $0x9;
	_ =	strace $0x80000048  }
0xb6: {  	_ =	swait.ge [sflag:s29], $0x1  }
0xb7: {  	[sflag:s29] =	ssyncadd.s32 $0xFFFFFFFF  }
0xb8: {  	_ =	strace $0x90000048  }
0xb9: {  	_ =	sfence  }
0xba: {  	s30 =	sld [smem:$0x0];
	_ =	sdelay $0x2  }
0xbb: {  	s31 =	sshll.u32 s1, $0xD;
	s1 =	sshrl.u32 s1, $0x2  }
0xbc: {  	s3 =	sand.u32 $0x4000, s31;
	s1 =	sadd.s32 s1, s30  }
0xbd: {  	s0 =	sor.u32 s3, s0;
	s1 =	sshll.u32 s1, $0x11  }
0xbe: {  	s0 =	sor.u32 s1, s0  }
0xbf: {  	s0 =	sadd.s32 $0x8F2B, s0  }
0xc0: {  	[sflag:s0] =	ssyncadd.remote.s32 $0x1  }
0xc1: {  	_ =	sfence.sel $0xFFFF  }
0xc2: {  	[dreg:$0x0] =	wrdreg $0xFFFFFFFF;
	(pc) =	sbr.abs _section_cstart, $3  }
0xc3: {  	[dreg:$0x1] =	wrdreg $0xFFFFFFFF  }
0xc4: {  	_ =	task.clear_ibuf [dreg:s9], $0x2FFFF;
	_ =	strace $0x9FFFFFFF  }
0xc5: {  	(tm) =	ssettm $0x7FFFFFFF  }
tec
execute0_lowered:
.L_overlay_start_1:
0x0: {  	(tag) =	ssettag $0x1  }
0x1: {  	s6 =	rddreg [dreg:$0x0]  }
0x2: {  	s7 =	rddreg [dreg:$0x1]  }
0x3: {  	s0 =	srdreg.scid;
	s4 =	rddreg [dreg:$0x2]  }
0x4: {  	s2 =	stileid.u32;
	s5 =	simm.s32 $0x0;
	s29 =	simm.s32 $0x1  }
0x5: {  	s30 =	simm.s32 $0x3;
	s13 =	simm.s32 $0x5;
	s14 =	simm.s32 $0xD  }
0x6: {  	s28 =	simm.s32 $0x9;
	[smem:$0x7FF] =	sst s5;
	s20 =	sadd.s32 $0x100000, s6  }
0x7: {  	s9 =	sadd.s32 $0x200000, s6;
	_ =	strace $0x80000047;
	[dreg:$0x8] =	wrdreg s20  }
0x8: {  	s0 =	sand.u32 $0x1, s0;
	s10 =	sadd.s32 $0x300000, s6;
	[dreg:$0x9] =	wrdreg s9  }
0x9: {  	s3 =	sshll.u32 s2, $0x8;
	s25 =	sadd.s32 $0x100000, s4;
	[dreg:$0xa] =	wrdreg s10  }
0xa: {  	s26 =	sadd.s32 $0x200000, s4;
	s1 =	sshll.u32 s0, $0xC;
	[dreg:$0x11] =	wrdreg s25  }
0xb: {  	s31 =	sadd.s32 $0x300000, s4;
	[dreg:$0x12] =	wrdreg s26;
	s1 =	sor.u32 s3, s1  }
0xc: {  	s0 =	ssub.s32 $0x2, s0;
	[dreg:$0x13] =	wrdreg s31;
	s17 =	sshll.u32 s1, $0x7  }
0xd: {  	s25 =	simm.s32 $0xB;
	s8 =	sadd.s32 s7, s17;
	[dreg:$0x4] =	wrdreg s17  }
0xe: {  	s26 =	simm.s32 $0x8;
	s21 =	sadd.s32 s17, s9;
	[dreg:$0x5] =	wrdreg s8  }
0xf: {  	s16 =	sshrl.u32 s0, $0x1;
	s2 =	sadd.s32 s17, s10;
	[dreg:$0xc] =	wrdreg s21  }
0x10: {  	s0 =	ssub.s32 s0, s16;
	s19 =	sadd.s32 s6, s17;
	[dreg:$0xd] =	wrdreg s2  }
0x11: {  	s18 =	sor.u32 $0x400, s17;
	s0 =	smax.u32 s0, $0x1;
	[dreg:$0x7] =	wrdreg s19  }
0x12: {  	s16 =	simm.s32 $0x6;
	s7 =	sadd.s32 s7, s18;
	[dreg:$0x14] =	wrdreg s0  }
0x13: {  	s9 =	simm.s32 $0x7;
	s8 =	sadd.s32 s17, s20;
	[dreg:$0x6] =	wrdreg s7  }
.Ltmp0:
0x14: {  	s22 =	sadd.s32 s6, s18;
	[dreg:$0xb] =	wrdreg s8;
	(pc) =	sbr.rel .LBB2_1-.Ltmp0, $4  }
0x15: {  	s23 =	sadd.s32 $0x100400, s19;
	s24 =	sadd.s32 $0x200400, s19;
	[dreg:$0xe] =	wrdreg s22  }
0x16: {  	s19 =	sshrl.u32 s1, $0x3;
	s0 =	simm.s32 $0x4;
	[dreg:$0xf] =	wrdreg s23  }
0x17: {  	s17 =	simm.s32 $0xE;
	s2 =	simm.s32 $0x0;
	[dreg:$0x10] =	wrdreg s24  }
0x18: {  	s7 =	simm.s32 $0xC;
	s23 =	simm.s32 $0x2;
	s24 =	simm.s32 $0xA  }
.LBB2_32:
0x19: {  	_ =	swait.ge [sflag:s25], $0x2000  }
0x1a: {  	[sflag:s25] =	ssyncset.done $0x0  }
0x1b: {  	[sflag:s25] =	ssyncadd.s32 $0xFFFFE000  }
0x1c: {  	_ =	swait.ge [sflag:s7], $0x2000  }
0x1d: {  	[sflag:s7] =	ssyncset.done $0x0  }
0x1e: {  	[sflag:s7] =	ssyncadd.s32 $0xFFFFE000  }
0x1f: {  	_ =	swait.ge [sflag:s14], $0x2000  }
0x20: {  	[sflag:s14] =	ssyncset.done $0x0  }
0x21: {  	[sflag:s14] =	ssyncadd.s32 $0xFFFFE000  }
0x22: {  	_ =	swait.ge [sflag:s17], $0x2000  }
0x23: {  	s2 =	rddreg [dreg:$0x15]  }
0x24: {  	s1 =	rddreg [dreg:$0x14];
	s2 =	sadd.s32 $0x1, s2  }
0x25: {  	p0 =	sne.s32 s2, s1  }
.Ltmp1:
0x26: {  	_ = 	snop;
	(pc) =	sbr.rel @!p0 .LBB2_33-.Ltmp1, $3  }
0x27: {  	_ =	sdelay $0x1  }
0x28: {  	[sflag:s17] =	ssyncset.done $0x0  }
0x29: {  	[sflag:s17] =	ssyncadd.s32 $0xFFFFE000  }
.LBB2_1:
0x2a: {  	[dreg:$0x15] =	wrdreg s2  }
0x2b: {  	s1 =	rddreg [dreg:$0x5]  }
0x2c: {  	[tilespmem:s5], [sflag:$0x1] =	stream.linear.gather [hbm4b:s1+s5], $0x2000, $0x38;
	[tilespmem:$0x1C000] =	vst v63  }
0x2d: {  	s20 =	rddreg [dreg:$0x6];
	s21 =	simm.s32 $0x2000  }
0x2e: {  	[tilespmem:s21], [sflag:$0x2] =	stream.linear.gather [hbm4b:s20+s5], $0x2000, $0x38;
	[tilespmem:$0x1C000] =	vst v63  }
0x2f: {  	s22 =	rddreg [dreg:$0x7];
	s31 =	simm.s32 $0x4000  }
0x30: {  	[tilespmem:s31], [sflag:$0x3] =	stream.linear.gather [hbm4b:s22+s5], $0x2000, $0x38;
	[tilespmem:$0x1C000] =	vst v63  }
0x31: {  	s3 =	rddreg [dreg:$0xb];
	s6 =	simm.s32 $0x6000  }
0x32: {  	[tilespmem:s6], [sflag:$0x4] =	stream.linear.gather [hbm4b:s3+s5], $0x2000, $0x38;
	[tilespmem:$0x1C000] =	vst v63  }
0x33: {  	s8 =	rddreg [dreg:$0xc];
	s10 =	simm.s32 $0x8000  }
0x34: {  	[tilespmem:s10], [sflag:$0x5] =	stream.linear.gather [hbm4b:s8+s5], $0x2000, $0x38;
	[tilespmem:$0x1C000] =	vst v63  }
0x35: {  	s11 =	rddreg [dreg:$0xd];
	s12 =	simm.s32 $0xA000  }
0x36: {  	[tilespmem:s12], [sflag:$0x6] =	stream.linear.gather [hbm4b:s11+s5], $0x2000, $0x38;
	[tilespmem:$0x1C000] =	vst v63  }
0x37: {  	s15 =	rddreg [dreg:$0xe];
	s18 =	simm.s32 $0xC000  }
0x38: {  	[tilespmem:s18], [sflag:$0x7] =	stream.linear.gather [hbm4b:s15+s5], $0x2000, $0x38;
	[tilespmem:$0x1C000] =	vst v63  }
0x39: {  	s20 =	rddreg [dreg:$0xf];
	s21 =	simm.s32 $0xE000  }
0x3a: {  	[tilespmem:s21], [sflag:$0x8] =	stream.linear.gather [hbm4b:s20+s5], $0x2000, $0x38;
	[tilespmem:$0x1C000] =	vst v63  }
0x3b: {  	s1 =	simm.s32 $0x0;
	s22 =	rddreg [dreg:$0x10];
	s31 =	simm.s32 $0x10000  }
0x3c: {  	[tilespmem:s31], [sflag:$0x9] =	stream.linear.gather [hbm4b:s22+s5], $0x2000, $0x38;
	[tilespmem:$0x1C000] =	vst v63  }
.LBB2_2:
0x3d: {  	s12 =	sshll.u32 s1, $0x1  }
0x3e: {  	s3 =	sor.u32 s12, s19  }
0x3f: {  	s6 =	sshll.u32 s3, $0xA  }
0x40: {  	s2 =	rddreg [dreg:$0x0];
	s3 =	sor.u32 $0x300400, s6  }
0x41: {  	s18 =	simm.s32 $0x12000;
	s8 =	sadd.s32 s2, s3  }
0x42: {  	[tilespmem:s18], [sflag:$0xA] =	stream.linear.gather [hbm4b:s8+s5], $0x2000, $0x38;
	[tilespmem:$0x1C000] =	vst v63  }
0x43: {  	_ =	swait.ge [sflag:s29], $0x2000  }
0x44: {  	[sflag:s29] =	ssyncset.done $0x0  }
0x45: {  	[sflag:s29] =	ssyncadd.s32 $0xFFFFE000  }
0x46: {  	_ =	swait.ge [sflag:s30], $0x2000  }
0x47: {  	p0 =	seq.s32 s1, $0x0;
	[sflag:s30] =	ssyncset.done $0x0  }
0x48: {  	s21 =	simm.s32 $0x0;
	s8 =	simm.s32 @!p0 $0xB;
	[sflag:s30] =	ssyncadd.s32 $0xFFFFE000  }
0x49: {  	s15 =	sand.u32 $0x1C00, s21;
	_ =	swait.ge @!p0 [sflag:s8], $0x2000  }
0x4a: {  	s18 =	sor.u32 s15, s21;
	[sflag:s8] =	ssyncset.done @!p0 $0x0  }
0x4b: {  	s20 =	sor.u32 $0x70, s18;
	[sflag:s8] =	ssyncadd.s32 @!p0 $0xFFFFE000  }
0x4c: {  	s31 =	sand.u32 $0x380, s21;
	v0 =	vld [tilespmem:s20+$0x4000]  }
0x4d: {  	s22 =	sor.u32 s31, s15;
	v1 =	vld [tilespmem:s20+$0x0]  }
0x4e: {  	v2 =	vld [tilespmem:s22+$0x4000]  }
0x4f: {  	v3 =	vld [tilespmem:s22+$0x0]  }
0x50: {  	v4 =	vld [tilespmem:s22+$0x4010]  }
0x51: {  	v5 =	vld [tilespmem:s22+$0x10]  }
0x52: {  	v6 =	vld [tilespmem:s22+$0x4020]  }
0x53: {  	v7 =	vld [tilespmem:s22+$0x20]  }
0x54: {  	v1 =	vadd.f32 v1, v0;
	v0 =	vld [tilespmem:s22+$0x4030]  }
0x55: {  	v2 =	vadd.f32 v3, v2;
	v3 =	vld [tilespmem:s22+$0x30]  }
0x56: {  	v4 =	vadd.f32 v5, v4;
	[tilespmem:s20+$0x14000] =	vst v1;
	v1 =	vld [tilespmem:s22+$0x4040]  }
0x57: {  	[tilespmem:s22+$0x14000] =	vst v2;
	v2 =	vld [tilespmem:s22+$0x40]  }
0x58: {  	s15 =	simm.s32 $0x400;
	s8 =	simm.s32 $0x0;
	v5 =	vadd.f32 v7, v6;
	s20 =	sor.u32 $0x400, s6;
	[tilespmem:s22+$0x14010] =	vst v4;
	v4 =	vld [tilespmem:s22+$0x4050]  }
.LBB2_3:
0x59: {  	s18 =	sand.u32 $0x1C00, s15;
	v6 =	vld [tilespmem:s22+$0x50];
	s21 =	sadd.s32 $0x10, s21  }
0x5a: {  	s8 =	sadd.s32 $0x8, s8;
	s31 =	sand.u32 $0x380, s21;
	s2 =	sor.u32 s18, s21;
	[tilespmem:s22+$0x14020] =	vst v5;
	v0 =	vadd.f32 v3, v0;
	v3 =	vld [tilespmem:s22+$0x4060]  }
0x5b: {  	p1 =	slt.u32 s8, $0x1F8;
	s18 =	sor.u32 s31, s18;
	s2 =	sor.u32 $0x70, s2;
	v5 =	vld [tilespmem:s22+$0x60]  }
0x5c: {  	v7 =	vld [tilespmem:s2+$0x4000];
	[tilespmem:s22+$0x14030] =	vst v0;
	v0 =	vadd.f32 v2, v1  }
0x5d: {  	v1 =	vld [tilespmem:s2+$0x0]  }
0x5e: {  	v2 =	vld [tilespmem:s18+$0x4000];
	[tilespmem:s22+$0x14040] =	vst v0;
	v0 =	vadd.f32 v6, v4  }
0x5f: {  	v4 =	vld [tilespmem:s18+$0x0]  }
0x60: {  	v6 =	vld [tilespmem:s18+$0x4010];
	[tilespmem:s22+$0x14050] =	vst v0;
	v0 =	vadd.f32 v5, v3  }
0x61: {  	v5 =	vld [tilespmem:s18+$0x10]  }
0x62: {  	v8 =	vld [tilespmem:s18+$0x4020];
	v1 =	vadd.f32 v1, v7;
	[tilespmem:s22+$0x14060] =	vst v0;
	s22 =	smov.u32 s18  }
0x63: {  	v7 =	vld [tilespmem:s22+$0x20]  }
.Ltmp2:
0x64: {  	v2 =	vadd.f32 v4, v2;
	v0 =	vld [tilespmem:s22+$0x4030];
	[tilespmem:s2+$0x14000] =	vst v1;
	(pc) =	sbr.rel @p1 .LBB2_3-.Ltmp2, $4  }
0x65: {  	v3 =	vld [tilespmem:s22+$0x30]  }
0x66: {  	[tilespmem:s22+$0x14000] =	vst v2;
	v4 =	vadd.f32 v5, v6;
	v1 =	vld [tilespmem:s22+$0x4040]  }
0x67: {  	v2 =	vld [tilespmem:s22+$0x40]  }
0x68: {  	s15 =	sadd.s32 $0x400, s15;
	[tilespmem:s22+$0x14010] =	vst v4;
	v5 =	vadd.f32 v7, v8;
	v4 =	vld [tilespmem:s22+$0x4050]  }
0x69: {  	v6 =	vld [tilespmem:s22+$0x50];
	_ =	sdelay $0x1  }
0x6a: {  	v7 =	vld [tilespmem:s22+$0x4060]  }
0x6b: {  	v8 =	vld [tilespmem:s22+$0x60];
	v0 =	vadd.f32 v3, v0  }
0x6c: {  	[tilespmem:s22+$0x14020] =	vst v5;
	v1 =	vadd.f32 v2, v1  }
0x6d: {  	[tilespmem:s22+$0x14030] =	vst v0;
	v62 =	vadd.f32 v6, v4  }
0x6e: {  	p1 =	sne.s32 s1, $0xF;
	[tilespmem:s22+$0x14040] =	vst v1  }
.Ltmp3:
0x6f: {  	[tilespmem:s22+$0x14050] =	vst v62;
	(pc) =	sbr.rel @p1 .LBB2_6-.Ltmp3, $4  }
0x70: {  	s2 =	sshll.u32 s1, $0xB;
	v63 =	vadd.f32 v8, v7;
	s8 =	rddreg [dreg:$0x4]  }
0x71: {  	s21 =	sadd.s32 s8, s2  }
0x72: {  	s31 =	simm.s32 $0x14000;
	[tilespmem:s22+$0x14060] =	vst v63;
	s22 =	sadd.s32 $0x2, s12;
	s2 =	sadd.s32 s4, s21  }
0x73: {  	[hbm4b:s2+s5] =	stream.linear.scatter [tilespmem:s31], [sflag:$0xB], $0x2000, $0x38;
	[tilespmem:$0x1C000] =	vst v63  }
.Ltmp4:
0x74: {  	(pc) =	sbr.rel .LBB2_7-.Ltmp4, $4  }
0x75: {  	_ = 	snop  }
0x76: {  	_ =	swait.ge [sflag:s0], $0x2000  }
0x77: {  	[sflag:s0] =	ssyncset.done $0x0  }
0x78: {  	[sflag:s0] =	ssyncadd.s32 $0xFFFFE000  }
.LBB2_6:
0x79: {  	s2 =	sadd.s32 s19, s22  }
0x7a: {  	s2 =	sshll.u32 s2, $0xA  }
0x7b: {  	s8 =	rddreg [dreg:$0x0];
	s2 =	sand.u32 $0x1FFFF800, s2  }
.Ltmp5:
0x7c: {  	s31 =	simm.s32 $0x4000;
	s2 =	sadd.s32 s8, s2;
	(pc) =	sbr.rel @p0 .LBB2_8-.Ltmp5, $4  }
0x7d: {  	[tilespmem:s31], [sflag:$0x3] =	stream.linear.gather [hbm4b:s2+s5], $0x2000, $0x38;
	[tilespmem:$0x1C000] =	vst v63  }
0x7e: {  	_ =	swait.ge [sflag:s0], $0x2000  }
0x7f: {  	[sflag:s0] =	ssyncset.done $0x0  }
0x80: {  	[sflag:s0] =	ssyncadd.s32 $0xFFFFE000  }
.LBB2_7:
0x81: {  	_ =	swait.ge [sflag:s7], $0x2000  }
0x82: {  	[sflag:s7] =	ssyncset.done $0x0  }
0x83: {  	[sflag:s7] =	ssyncadd.s32 $0xFFFFE000  }
.LBB2_8:
0x84: {  	s8 =	simm.s32 $0x0  }
0x85: {  	s2 =	sand.u32 $0x1C00, s8;
	s18 =	sand.u32 $0x380, s8  }
0x86: {  	s31 =	sor.u32 s18, s2  }
0x87: {  	v2 =	vld [tilespmem:s31+$0x6000]  }
0x88: {  	s15 =	sor.u32 s2, s8;
	v3 =	vld [tilespmem:s31+$0x0]  }
0x89: {  	s15 =	sor.u32 $0x70, s15;
	v5 =	vld [tilespmem:s31+$0x6010]  }
0x8a: {  	v0 =	vld [tilespmem:s15+$0x6000]  }
0x8b: {  	v1 =	vld [tilespmem:s15+$0x0]  }
0x8c: {  	v6 =	vld [tilespmem:s31+$0x10]  }
0x8d: {  	v7 =	vld [tilespmem:s31+$0x6020]  }
0x8e: {  	v8 =	vld [tilespmem:s31+$0x20]  }
0x8f: {  	v4 =	vld [tilespmem:s31+$0x30];
	v2 =	vadd.f32 v3, v2  }
0x90: {  	v1 =	vadd.f32 v1, v0;
	v0 =	vld [tilespmem:s31+$0x6030]  }
0x91: {  	v3 =	vadd.f32 v6, v5;
	[tilespmem:s31+$0x16000] =	vst v2;
	v2 =	vld [tilespmem:s31+$0x40]  }
0x92: {  	[tilespmem:s15+$0x16000] =	vst v1;
	v1 =	vld [tilespmem:s31+$0x6040]  }
0x93: {  	s18 =	simm.s32 $0x400;
	v5 =	vadd.f32 v8, v7;
	[tilespmem:s31+$0x16010] =	vst v3;
	v3 =	vld [tilespmem:s31+$0x6050];
	s15 =	simm.s32 $0x0  }
.LBB2_9:
0x94: {  	s2 =	sand.u32 $0x1C00, s18;
	v6 =	vld [tilespmem:s31+$0x50];
	s8 =	sadd.s32 $0x10, s8  }
0x95: {  	s15 =	sadd.s32 $0x8, s15;
	s10 =	sand.u32 $0x380, s8;
	s11 =	sor.u32 s2, s8;
	[tilespmem:s31+$0x16020] =	vst v5;
	v0 =	vadd.f32 v4, v0;
	v4 =	vld [tilespmem:s31+$0x6060]  }
0x96: {  	p2 =	slt.u32 s15, $0x1F8;
	s2 =	sor.u32 s10, s2;
	s10 =	sor.u32 $0x70, s11;
	v5 =	vld [tilespmem:s31+$0x60]  }
0x97: {  	v7 =	vld [tilespmem:s10+$0x6000];
	[tilespmem:s31+$0x16030] =	vst v0;
	v0 =	vadd.f32 v2, v1  }
0x98: {  	v1 =	vld [tilespmem:s10+$0x0]  }
0x99: {  	v2 =	vld [tilespmem:s2+$0x6000];
	[tilespmem:s31+$0x16040] =	vst v0;
	v0 =	vadd.f32 v6, v3  }
0x9a: {  	v3 =	vld [tilespmem:s2+$0x0]  }
0x9b: {  	v6 =	vld [tilespmem:s2+$0x6010];
	[tilespmem:s31+$0x16050] =	vst v0;
	v0 =	vadd.f32 v5, v4  }
0x9c: {  	v5 =	vld [tilespmem:s2+$0x10]  }
0x9d: {  	v8 =	vld [tilespmem:s2+$0x6020];
	v1 =	vadd.f32 v1, v7;
	[tilespmem:s31+$0x16060] =	vst v0;
	s31 =	smov.u32 s2  }
0x9e: {  	v7 =	vld [tilespmem:s31+$0x20]  }
.Ltmp6:
0x9f: {  	v2 =	vadd.f32 v3, v2;
	v0 =	vld [tilespmem:s31+$0x6030];
	[tilespmem:s10+$0x16000] =	vst v1;
	(pc) =	sbr.rel @p2 .LBB2_9-.Ltmp6, $4  }
0xa0: {  	v4 =	vld [tilespmem:s31+$0x30]  }
0xa1: {  	[tilespmem:s31+$0x16000] =	vst v2;
	v3 =	vadd.f32 v5, v6;
	v1 =	vld [tilespmem:s31+$0x6040]  }
0xa2: {  	v2 =	vld [tilespmem:s31+$0x40]  }
0xa3: {  	s18 =	sadd.s32 $0x400, s18;
	[tilespmem:s31+$0x16010] =	vst v3;
	v5 =	vadd.f32 v7, v8;
	v3 =	vld [tilespmem:s31+$0x6050]  }
0xa4: {  	v6 =	vld [tilespmem:s31+$0x50]  }
0xa5: {  	v7 =	vld [tilespmem:s31+$0x6060]  }
0xa6: {  	v8 =	vld [tilespmem:s31+$0x60];
	_ =	sdelay $0x1  }
0xa7: {  	v0 =	vadd.f32 v4, v0  }
0xa8: {  	[tilespmem:s31+$0x16020] =	vst v5;
	v1 =	vadd.f32 v2, v1  }
0xa9: {  	[tilespmem:s31+$0x16030] =	vst v0;
	v62 =	vadd.f32 v6, v3  }
0xaa: {  	[tilespmem:s31+$0x16040] =	vst v1;
	v63 =	vadd.f32 v8, v7  }
.Ltmp7:
0xab: {  	[tilespmem:s31+$0x16050] =	vst v62;
	(pc) =	sbr.rel @p1 .LBB2_12-.Ltmp7, $4  }
0xac: {  	[tilespmem:s31+$0x16060] =	vst v63  }
0xad: {  	s2 =	rddreg [dreg:$0x11]  }
0xae: {  	s8 =	simm.s32 $0x16000;
	s2 =	sadd.s32 s21, s2  }
0xaf: {  	[hbm4b:s2+s5] =	stream.linear.scatter [tilespmem:s8], [sflag:$0xC], $0x2000, $0x38;
	[tilespmem:$0x1C000] =	vst v63  }
.Ltmp8:
0xb0: {  	(pc) =	sbr.rel .LBB2_13-.Ltmp8, $4  }
0xb1: {  	_ = 	snop  }
0xb2: {  	_ =	swait.ge [sflag:s13], $0x2000  }
0xb3: {  	[sflag:s13] =	ssyncset.done $0x0  }
0xb4: {  	[sflag:s13] =	ssyncadd.s32 $0xFFFFE000  }
.LBB2_12:
0xb5: {  	s2 =	sadd.s32 s19, s22  }
0xb6: {  	s8 =	rddreg [dreg:$0x8];
	s2 =	sshll.u32 s2, $0xA  }
.Ltmp9:
0xb7: {  	s31 =	simm.s32 $0x6000;
	s2 =	sadd.s32 s2, s8;
	(pc) =	sbr.rel @p0 .LBB2_14-.Ltmp9, $4  }
0xb8: {  	[tilespmem:s31], [sflag:$0x4] =	stream.linear.gather [hbm4b:s2+s5], $0x2000, $0x38;
	[tilespmem:$0x1C000] =	vst v63  }
0xb9: {  	_ =	swait.ge [sflag:s13], $0x2000  }
0xba: {  	[sflag:s13] =	ssyncset.done $0x0  }
0xbb: {  	[sflag:s13] =	ssyncadd.s32 $0xFFFFE000  }
.LBB2_13:
0xbc: {  	_ =	swait.ge [sflag:s14], $0x2000  }
0xbd: {  	[sflag:s14] =	ssyncset.done $0x0  }
0xbe: {  	[sflag:s14] =	ssyncadd.s32 $0xFFFFE000  }
.LBB2_14:
0xbf: {  	s8 =	simm.s32 $0x0  }
0xc0: {  	s2 =	sand.u32 $0x1C00, s8;
	s11 =	sand.u32 $0x380, s8  }
0xc1: {  	s31 =	sor.u32 s11, s2  }
0xc2: {  	v2 =	vld [tilespmem:s31+$0x8000]  }
0xc3: {  	s10 =	sor.u32 s2, s8;
	v3 =	vld [tilespmem:s31+$0x0]  }
0xc4: {  	s10 =	sor.u32 $0x70, s10;
	v5 =	vld [tilespmem:s31+$0x8010]  }
0xc5: {  	v0 =	vld [tilespmem:s10+$0x8000]  }
0xc6: {  	v1 =	vld [tilespmem:s10+$0x0]  }
0xc7: {  	v6 =	vld [tilespmem:s31+$0x10]  }
0xc8: {  	v7 =	vld [tilespmem:s31+$0x8020]  }
0xc9: {  	v8 =	vld [tilespmem:s31+$0x20]  }
0xca: {  	v4 =	vld [tilespmem:s31+$0x30];
	v2 =	vadd.f32 v3, v2  }
0xcb: {  	v1 =	vadd.f32 v1, v0;
	v0 =	vld [tilespmem:s31+$0x8030]  }
0xcc: {  	v3 =	vadd.f32 v6, v5;
	[tilespmem:s31+$0x18000] =	vst v2;
	v2 =	vld [tilespmem:s31+$0x40]  }
0xcd: {  	[tilespmem:s10+$0x18000] =	vst v1;
	v1 =	vld [tilespmem:s31+$0x8040]  }
0xce: {  	s15 =	simm.s32 $0x0;
	s18 =	simm.s32 $0x400;
	v5 =	vadd.f32 v8, v7;
	[tilespmem:s31+$0x18010] =	vst v3;
	v3 =	vld [tilespmem:s31+$0x8050]  }
.LBB2_15:
0xcf: {  	s2 =	sand.u32 $0x1C00, s18;
	v6 =	vld [tilespmem:s31+$0x50];
	s8 =	sadd.s32 $0x10, s8  }
0xd0: {  	s15 =	sadd.s32 $0x8, s15;
	s10 =	sand.u32 $0x380, s8;
	s11 =	sor.u32 s2, s8;
	[tilespmem:s31+$0x18020] =	vst v5;
	v0 =	vadd.f32 v4, v0;
	v4 =	vld [tilespmem:s31+$0x8060]  }
0xd1: {  	p2 =	slt.u32 s15, $0x1F8;
	s2 =	sor.u32 s10, s2;
	s10 =	sor.u32 $0x70, s11;
	v5 =	vld [tilespmem:s31+$0x60]  }
0xd2: {  	v7 =	vld [tilespmem:s10+$0x8000];
	[tilespmem:s31+$0x18030] =	vst v0;
	v0 =	vadd.f32 v2, v1  }
0xd3: {  	v1 =	vld [tilespmem:s10+$0x0]  }
0xd4: {  	v2 =	vld [tilespmem:s2+$0x8000];
	[tilespmem:s31+$0x18040] =	vst v0;
	v0 =	vadd.f32 v6, v3  }
0xd5: {  	v3 =	vld [tilespmem:s2+$0x0]  }
0xd6: {  	v6 =	vld [tilespmem:s2+$0x8010];
	[tilespmem:s31+$0x18050] =	vst v0;
	v0 =	vadd.f32 v5, v4  }
0xd7: {  	v5 =	vld [tilespmem:s2+$0x10]  }
0xd8: {  	v8 =	vld [tilespmem:s2+$0x8020];
	v1 =	vadd.f32 v1, v7;
	[tilespmem:s31+$0x18060] =	vst v0;
	s31 =	smov.u32 s2  }
0xd9: {  	v7 =	vld [tilespmem:s31+$0x20]  }
.Ltmp10:
0xda: {  	v2 =	vadd.f32 v3, v2;
	v0 =	vld [tilespmem:s31+$0x8030];
	[tilespmem:s10+$0x18000] =	vst v1;
	(pc) =	sbr.rel @p2 .LBB2_15-.Ltmp10, $4  }
0xdb: {  	v4 =	vld [tilespmem:s31+$0x30]  }
0xdc: {  	[tilespmem:s31+$0x18000] =	vst v2;
	v3 =	vadd.f32 v5, v6;
	v1 =	vld [tilespmem:s31+$0x8040]  }
0xdd: {  	v2 =	vld [tilespmem:s31+$0x40]  }
0xde: {  	s18 =	sadd.s32 $0x400, s18;
	[tilespmem:s31+$0x18010] =	vst v3;
	v5 =	vadd.f32 v7, v8;
	v3 =	vld [tilespmem:s31+$0x8050]  }
0xdf: {  	v6 =	vld [tilespmem:s31+$0x50]  }
0xe0: {  	v7 =	vld [tilespmem:s31+$0x8060]  }
0xe1: {  	v8 =	vld [tilespmem:s31+$0x60];
	_ =	sdelay $0x1  }
0xe2: {  	v0 =	vadd.f32 v4, v0  }
0xe3: {  	[tilespmem:s31+$0x18020] =	vst v5;
	v1 =	vadd.f32 v2, v1  }
0xe4: {  	[tilespmem:s31+$0x18030] =	vst v0;
	v62 =	vadd.f32 v6, v3  }
0xe5: {  	[tilespmem:s31+$0x18040] =	vst v1;
	v63 =	vadd.f32 v8, v7  }
.Ltmp11:
0xe6: {  	[tilespmem:s31+$0x18050] =	vst v62;
	(pc) =	sbr.rel @p1 .LBB2_18-.Ltmp11, $4  }
0xe7: {  	[tilespmem:s31+$0x18060] =	vst v63  }
0xe8: {  	s2 =	rddreg [dreg:$0x12]  }
0xe9: {  	s8 =	simm.s32 $0x18000;
	s2 =	sadd.s32 s21, s2  }
0xea: {  	[hbm4b:s2+s5] =	stream.linear.scatter [tilespmem:s8], [sflag:$0xD], $0x2000, $0x38;
	[tilespmem:$0x1C000] =	vst v63  }
.Ltmp12:
0xeb: {  	(pc) =	sbr.rel .LBB2_19-.Ltmp12, $4  }
0xec: {  	_ = 	snop  }
0xed: {  	_ =	swait.ge [sflag:s16], $0x2000  }
0xee: {  	[sflag:s16] =	ssyncset.done $0x0  }
0xef: {  	[sflag:s16] =	ssyncadd.s32 $0xFFFFE000  }
.LBB2_18:
0xf0: {  	s2 =	sadd.s32 s19, s22  }
0xf1: {  	s8 =	rddreg [dreg:$0x9];
	s2 =	sshll.u32 s2, $0xA  }
.Ltmp13:
0xf2: {  	s31 =	simm.s32 $0x8000;
	s2 =	sadd.s32 s2, s8;
	(pc) =	sbr.rel @p0 .LBB2_20-.Ltmp13, $4  }
0xf3: {  	[tilespmem:s31], [sflag:$0x5] =	stream.linear.gather [hbm4b:s2+s5], $0x2000, $0x38;
	[tilespmem:$0x1C000] =	vst v63  }
0xf4: {  	_ =	swait.ge [sflag:s16], $0x2000  }
0xf5: {  	[sflag:s16] =	ssyncset.done $0x0  }
0xf6: {  	[sflag:s16] =	ssyncadd.s32 $0xFFFFE000  }
.LBB2_19:
0xf7: {  	_ =	swait.ge [sflag:s17], $0x2000  }
0xf8: {  	[sflag:s17] =	ssyncset.done $0x0  }
0xf9: {  	[sflag:s17] =	ssyncadd.s32 $0xFFFFE000  }
.LBB2_20:
0xfa: {  	s8 =	simm.s32 $0x0  }
0xfb: {  	s2 =	sand.u32 $0x1C00, s8;
	s11 =	sand.u32 $0x380, s8  }
0xfc: {  	s31 =	sor.u32 s11, s2  }
0xfd: {  	v2 =	vld [tilespmem:s31+$0xA000]  }
0xfe: {  	s10 =	sor.u32 s2, s8;
	v3 =	vld [tilespmem:s31+$0x0]  }
0xff: {  	s10 =	sor.u32 $0x70, s10;
	v5 =	vld [tilespmem:s31+$0xA010]  }
0x100: {  	v0 =	vld [tilespmem:s10+$0xA000]  }
0x101: {  	v1 =	vld [tilespmem:s10+$0x0]  }
0x102: {  	v6 =	vld [tilespmem:s31+$0x10]  }
0x103: {  	v7 =	vld [tilespmem:s31+$0xA020]  }
0x104: {  	v8 =	vld [tilespmem:s31+$0x20]  }
0x105: {  	v4 =	vld [tilespmem:s31+$0x30];
	v2 =	vadd.f32 v3, v2  }
0x106: {  	v1 =	vadd.f32 v1, v0;
	v0 =	vld [tilespmem:s31+$0xA030]  }
0x107: {  	v3 =	vadd.f32 v6, v5;
	[tilespmem:s31+$0x1A000] =	vst v2;
	v2 =	vld [tilespmem:s31+$0x40]  }
0x108: {  	[tilespmem:s10+$0x1A000] =	vst v1;
	v1 =	vld [tilespmem:s31+$0xA040]  }
0x109: {  	s15 =	simm.s32 $0x0;
	s18 =	simm.s32 $0x400;
	v5 =	vadd.f32 v8, v7;
	[tilespmem:s31+$0x1A010] =	vst v3;
	v3 =	vld [tilespmem:s31+$0xA050]  }
.LBB2_21:
0x10a: {  	s2 =	sand.u32 $0x1C00, s18;
	v6 =	vld [tilespmem:s31+$0x50];
	s8 =	sadd.s32 $0x10, s8  }
0x10b: {  	s15 =	sadd.s32 $0x8, s15;
	s10 =	sand.u32 $0x380, s8;
	s11 =	sor.u32 s2, s8;
	[tilespmem:s31+$0x1A020] =	vst v5;
	v0 =	vadd.f32 v4, v0;
	v4 =	vld [tilespmem:s31+$0xA060]  }
0x10c: {  	p0 =	slt.u32 s15, $0x1F8;
	s2 =	sor.u32 s10, s2;
	s10 =	sor.u32 $0x70, s11;
	v5 =	vld [tilespmem:s31+$0x60]  }
0x10d: {  	v7 =	vld [tilespmem:s10+$0xA000];
	[tilespmem:s31+$0x1A030] =	vst v0;
	v0 =	vadd.f32 v2, v1  }
0x10e: {  	v1 =	vld [tilespmem:s10+$0x0]  }
0x10f: {  	v2 =	vld [tilespmem:s2+$0xA000];
	[tilespmem:s31+$0x1A040] =	vst v0;
	v0 =	vadd.f32 v6, v3  }
0x110: {  	v3 =	vld [tilespmem:s2+$0x0]  }
0x111: {  	v6 =	vld [tilespmem:s2+$0xA010];
	[tilespmem:s31+$0x1A050] =	vst v0;
	v0 =	vadd.f32 v5, v4  }
0x112: {  	v5 =	vld [tilespmem:s2+$0x10]  }
0x113: {  	v8 =	vld [tilespmem:s2+$0xA020];
	v1 =	vadd.f32 v1, v7;
	[tilespmem:s31+$0x1A060] =	vst v0;
	s31 =	smov.u32 s2  }
0x114: {  	v7 =	vld [tilespmem:s31+$0x20]  }
.Ltmp14:
0x115: {  	v2 =	vadd.f32 v3, v2;
	v0 =	vld [tilespmem:s31+$0xA030];
	[tilespmem:s10+$0x1A000] =	vst v1;
	(pc) =	sbr.rel @p0 .LBB2_21-.Ltmp14, $4  }
0x116: {  	v4 =	vld [tilespmem:s31+$0x30]  }
0x117: {  	[tilespmem:s31+$0x1A000] =	vst v2;
	v3 =	vadd.f32 v5, v6;
	v1 =	vld [tilespmem:s31+$0xA040]  }
0x118: {  	v2 =	vld [tilespmem:s31+$0x40]  }
0x119: {  	s18 =	sadd.s32 $0x400, s18;
	[tilespmem:s31+$0x1A010] =	vst v3;
	v5 =	vadd.f32 v7, v8;
	v3 =	vld [tilespmem:s31+$0xA050]  }
0x11a: {  	v6 =	vld [tilespmem:s31+$0x50]  }
0x11b: {  	v7 =	vld [tilespmem:s31+$0xA060]  }
0x11c: {  	v8 =	vld [tilespmem:s31+$0x60];
	_ =	sdelay $0x1  }
0x11d: {  	v0 =	vadd.f32 v4, v0  }
0x11e: {  	[tilespmem:s31+$0x1A020] =	vst v5;
	v1 =	vadd.f32 v2, v1  }
0x11f: {  	[tilespmem:s31+$0x1A030] =	vst v0;
	v0 =	vadd.f32 v6, v3  }
0x120: {  	[tilespmem:s31+$0x1A040] =	vst v1;
	v1 =	vadd.f32 v8, v7  }
0x121: {  	[tilespmem:s31+$0x1A050] =	vst v0  }
0x122: {  	[tilespmem:s31+$0x1A060] =	vst v1  }
0x123: {  	s2 =	rddreg [dreg:$0x13]  }
0x124: {  	p0 =	seq.s32 s1, $0xF;
	s18 =	simm.s32 $0x1A000;
	s2 =	sadd.s32 s21, s2  }
0x125: {  	[hbm4b:s2+s5] =	stream.linear.scatter [tilespmem:s18], [sflag:$0xE], $0x2000, $0x38;
	[tilespmem:$0x1C000] =	vst v63  }
0x126: {  	s2 =	sadd.s32 @!p0 s19, s22  }
0x127: {  	s2 =	sshll.u32 @!p0 s2, $0xA  }
0x128: {  	s10 =	rddreg [dreg:$0x1];
	s8 =	sand.u32 @!p0 $0x1FFFF800, s2  }
0x129: {  	s8 =	sadd.s32 @!p0 s10, s8;
	s10 =	simm.s32 @!p0 $0x0  }
0x12a: {  	[tilespmem:s10], [sflag:$0x1] =	stream.linear.gather @!p0 [hbm4b:s8+s10], $0x2000, $0x38;
	[tilespmem:$0x1C000] =	vst v63  }
0x12b: {  	s8 =	rddreg [dreg:$0xa]  }
0x12c: {  	s2 =	sadd.s32 @!p0 s2, s8;
	s8 =	simm.s32 @!p0 $0xA000  }
0x12d: {  	[tilespmem:s8], [sflag:$0x6] =	stream.linear.gather @!p0 [hbm4b:s2+s10], $0x2000, $0x38;
	[tilespmem:$0x1C000] =	vst v63  }
0x12e: {  	_ =	swait.ge [sflag:s23], $0x2000  }
0x12f: {  	[sflag:s23] =	ssyncset.done $0x0  }
0x130: {  	[sflag:s23] =	ssyncadd.s32 $0xFFFFE000  }
0x131: {  	_ =	swait.ge [sflag:s9], $0x2000  }
0x132: {  	[sflag:s9] =	ssyncset.done $0x0  }
0x133: {  	s22 =	simm.s32 $0x0;
	[sflag:s9] =	ssyncadd.s32 $0xFFFFE000  }
0x134: {  	s15 =	sand.u32 $0x1C00, s22;
	_ =	swait.ge [sflag:s25], $0x2000  }
0x135: {  	s21 =	sor.u32 s15, s22;
	[sflag:s25] =	ssyncset.done $0x0  }
0x136: {  	s8 =	sor.u32 $0x70, s21;
	[sflag:s25] =	ssyncadd.s32 $0xFFFFE000  }
0x137: {  	s31 =	sand.u32 $0x380, s22;
	v0 =	vld [tilespmem:s8+$0xC000]  }
0x138: {  	s21 =	sor.u32 s31, s15;
	v1 =	vld [tilespmem:s8+$0x2000]  }
0x139: {  	v2 =	vld [tilespmem:s21+$0xC000]  }
0x13a: {  	v3 =	vld [tilespmem:s21+$0x2000]  }
0x13b: {  	v5 =	vld [tilespmem:s21+$0xC010]  }
0x13c: {  	v6 =	vld [tilespmem:s21+$0x2010]  }
0x13d: {  	v7 =	vld [tilespmem:s21+$0xC020]  }
0x13e: {  	v63 =	vld [tilespmem:s21+$0x2020]  }
0x13f: {  	v4 =	vld [tilespmem:s21+$0x2030];
	v1 =	vadd.f32 v1, v0  }
0x140: {  	v0 =	vld [tilespmem:s21+$0xC030];
	v2 =	vadd.f32 v3, v2  }
0x141: {  	v3 =	vadd.f32 v6, v5;
	[tilespmem:s8+$0x14000] =	vst v1;
	v1 =	vld [tilespmem:s21+$0xC040]  }
0x142: {  	[tilespmem:s21+$0x14000] =	vst v2;
	v2 =	vld [tilespmem:s21+$0x2040]  }
0x143: {  	s15 =	simm.s32 $0x400;
	v5 =	vadd.f32 v63, v7;
	s8 =	simm.s32 $0x0;
	[tilespmem:s21+$0x14010] =	vst v3;
	v3 =	vld [tilespmem:s21+$0xC050]  }
.LBB2_23:
0x144: {  	s2 =	sand.u32 $0x1C00, s15;
	v6 =	vld [tilespmem:s21+$0x2050];
	s22 =	sadd.s32 $0x10, s22  }
0x145: {  	s8 =	sadd.s32 $0x8, s8;
	s10 =	sand.u32 $0x380, s22;
	s11 =	sor.u32 s2, s22;
	[tilespmem:s21+$0x14020] =	vst v5;
	v0 =	vadd.f32 v4, v0;
	v4 =	vld [tilespmem:s21+$0xC060]  }
0x146: {  	p1 =	slt.u32 s8, $0x1F8;
	s2 =	sor.u32 s10, s2;
	s10 =	sor.u32 $0x70, s11;
	v5 =	vld [tilespmem:s21+$0x2060]  }
0x147: {  	v7 =	vld [tilespmem:s10+$0xC000];
	[tilespmem:s21+$0x14030] =	vst v0;
	v0 =	vadd.f32 v2, v1  }
0x148: {  	v1 =	vld [tilespmem:s10+$0x2000]  }
0x149: {  	v2 =	vld [tilespmem:s2+$0xC000];
	[tilespmem:s21+$0x14040] =	vst v0;
	v0 =	vadd.f32 v6, v3  }
0x14a: {  	v3 =	vld [tilespmem:s2+$0x2000]  }
0x14b: {  	v6 =	vld [tilespmem:s2+$0xC010];
	[tilespmem:s21+$0x14050] =	vst v0;
	v0 =	vadd.f32 v5, v4  }
0x14c: {  	v5 =	vld [tilespmem:s2+$0x2010]  }
0x14d: {  	v8 =	vld [tilespmem:s2+$0xC020];
	v1 =	vadd.f32 v1, v7;
	[tilespmem:s21+$0x14060] =	vst v0;
	s21 =	smov.u32 s2  }
0x14e: {  	v7 =	vld [tilespmem:s21+$0x2020]  }
.Ltmp15:
0x14f: {  	v2 =	vadd.f32 v3, v2;
	v0 =	vld [tilespmem:s21+$0xC030];
	[tilespmem:s10+$0x14000] =	vst v1;
	(pc) =	sbr.rel @p1 .LBB2_23-.Ltmp15, $4  }
0x150: {  	v4 =	vld [tilespmem:s21+$0x2030]  }
0x151: {  	[tilespmem:s21+$0x14000] =	vst v2;
	v3 =	vadd.f32 v5, v6;
	v1 =	vld [tilespmem:s21+$0xC040]  }
0x152: {  	v2 =	vld [tilespmem:s21+$0x2040]  }
0x153: {  	s15 =	sadd.s32 $0x400, s15;
	[tilespmem:s21+$0x14010] =	vst v3;
	v5 =	vadd.f32 v7, v8;
	v3 =	vld [tilespmem:s21+$0xC050]  }
0x154: {  	v6 =	vld [tilespmem:s21+$0x2050]  }
0x155: {  	v7 =	vld [tilespmem:s21+$0xC060]  }
0x156: {  	v8 =	vld [tilespmem:s21+$0x2060];
	_ =	sdelay $0x1  }
0x157: {  	v0 =	vadd.f32 v4, v0  }
0x158: {  	[tilespmem:s21+$0x14020] =	vst v5;
	v1 =	vadd.f32 v2, v1  }
0x159: {  	[tilespmem:s21+$0x14030] =	vst v0;
	v0 =	vadd.f32 v6, v3  }
0x15a: {  	[tilespmem:s21+$0x14040] =	vst v1;
	v1 =	vadd.f32 v8, v7  }
0x15b: {  	[tilespmem:s21+$0x14050] =	vst v0  }
0x15c: {  	s2 =	sadd.s32 s4, s20;
	s8 =	simm.s32 $0x14000;
	s12 =	sadd.s32 $0x3, s12;
	[tilespmem:s21+$0x14060] =	vst v1  }
0x15d: {  	[hbm4b:s2+s5] =	stream.linear.scatter [tilespmem:s8], [sflag:$0xB], $0x2000, $0x38;
	[tilespmem:$0x1C000] =	vst v63  }
0x15e: {  	s2 =	sadd.s32 @!p0 s19, s12  }
0x15f: {  	s20 =	sshll.u32 @!p0 s2, $0xA;
	s2 =	rddreg [dreg:$0x0]  }
0x160: {  	s10 =	simm.s32 @!p0 $0xC000;
	s8 =	simm.s32 @!p0 $0x0;
	s2 =	sadd.s32 @!p0 s2, s20  }
0x161: {  	[tilespmem:s10], [sflag:$0x7] =	stream.linear.gather @!p0 [hbm4b:s2+s8], $0x2000, $0x38;
	[tilespmem:$0x1C000] =	vst v63  }
0x162: {  	_ =	swait.ge [sflag:s26], $0x2000  }
0x163: {  	[sflag:s26] =	ssyncset.done $0x0  }
0x164: {  	s22 =	simm.s32 $0x0;
	[sflag:s26] =	ssyncadd.s32 $0xFFFFE000  }
0x165: {  	s15 =	sand.u32 $0x1C00, s22;
	_ =	swait.ge [sflag:s7], $0x2000  }
0x166: {  	s21 =	sor.u32 s15, s22;
	[sflag:s7] =	ssyncset.done $0x0  }
0x167: {  	s8 =	sor.u32 $0x70, s21;
	[sflag:s7] =	ssyncadd.s32 $0xFFFFE000  }
0x168: {  	s31 =	sand.u32 $0x380, s22;
	v0 =	vld [tilespmem:s8+$0xE000]  }
0x169: {  	s21 =	sor.u32 s31, s15;
	v1 =	vld [tilespmem:s8+$0x2000]  }
0x16a: {  	v2 =	vld [tilespmem:s21+$0xE000]  }
0x16b: {  	v3 =	vld [tilespmem:s21+$0x2000]  }
0x16c: {  	v5 =	vld [tilespmem:s21+$0xE010]  }
0x16d: {  	v6 =	vld [tilespmem:s21+$0x2010]  }
0x16e: {  	v7 =	vld [tilespmem:s21+$0xE020]  }
0x16f: {  	v63 =	vld [tilespmem:s21+$0x2020]  }
0x170: {  	v4 =	vld [tilespmem:s21+$0x2030];
	v1 =	vadd.f32 v1, v0  }
0x171: {  	v0 =	vld [tilespmem:s21+$0xE030];
	v2 =	vadd.f32 v3, v2  }
0x172: {  	v3 =	vadd.f32 v6, v5;
	[tilespmem:s8+$0x16000] =	vst v1;
	v1 =	vld [tilespmem:s21+$0xE040]  }
0x173: {  	[tilespmem:s21+$0x16000] =	vst v2;
	v2 =	vld [tilespmem:s21+$0x2040]  }
0x174: {  	s15 =	simm.s32 $0x400;
	v5 =	vadd.f32 v63, v7;
	s8 =	simm.s32 $0x0;
	[tilespmem:s21+$0x16010] =	vst v3;
	v3 =	vld [tilespmem:s21+$0xE050]  }
.LBB2_25:
0x175: {  	s2 =	sand.u32 $0x1C00, s15;
	v6 =	vld [tilespmem:s21+$0x2050];
	s22 =	sadd.s32 $0x10, s22  }
0x176: {  	s8 =	sadd.s32 $0x8, s8;
	s10 =	sand.u32 $0x380, s22;
	s11 =	sor.u32 s2, s22;
	[tilespmem:s21+$0x16020] =	vst v5;
	v0 =	vadd.f32 v4, v0;
	v4 =	vld [tilespmem:s21+$0xE060]  }
0x177: {  	p1 =	slt.u32 s8, $0x1F8;
	s2 =	sor.u32 s10, s2;
	s10 =	sor.u32 $0x70, s11;
	v5 =	vld [tilespmem:s21+$0x2060]  }
0x178: {  	v7 =	vld [tilespmem:s10+$0xE000];
	[tilespmem:s21+$0x16030] =	vst v0;
	v0 =	vadd.f32 v2, v1  }
0x179: {  	v1 =	vld [tilespmem:s10+$0x2000]  }
0x17a: {  	v2 =	vld [tilespmem:s2+$0xE000];
	[tilespmem:s21+$0x16040] =	vst v0;
	v0 =	vadd.f32 v6, v3  }
0x17b: {  	v3 =	vld [tilespmem:s2+$0x2000]  }
0x17c: {  	v6 =	vld [tilespmem:s2+$0xE010];
	[tilespmem:s21+$0x16050] =	vst v0;
	v0 =	vadd.f32 v5, v4  }
0x17d: {  	v5 =	vld [tilespmem:s2+$0x2010]  }
0x17e: {  	v8 =	vld [tilespmem:s2+$0xE020];
	v1 =	vadd.f32 v1, v7;
	[tilespmem:s21+$0x16060] =	vst v0;
	s21 =	smov.u32 s2  }
0x17f: {  	v7 =	vld [tilespmem:s21+$0x2020]  }
.Ltmp16:
0x180: {  	v2 =	vadd.f32 v3, v2;
	v0 =	vld [tilespmem:s21+$0xE030];
	[tilespmem:s10+$0x16000] =	vst v1;
	(pc) =	sbr.rel @p1 .LBB2_25-.Ltmp16, $4  }
0x181: {  	v4 =	vld [tilespmem:s21+$0x2030]  }
0x182: {  	[tilespmem:s21+$0x16000] =	vst v2;
	v3 =	vadd.f32 v5, v6;
	v1 =	vld [tilespmem:s21+$0xE040]  }
0x183: {  	v2 =	vld [tilespmem:s21+$0x2040]  }
0x184: {  	s15 =	sadd.s32 $0x400, s15;
	[tilespmem:s21+$0x16010] =	vst v3;
	v5 =	vadd.f32 v7, v8;
	v3 =	vld [tilespmem:s21+$0xE050]  }
0x185: {  	v6 =	vld [tilespmem:s21+$0x2050]  }
0x186: {  	v7 =	vld [tilespmem:s21+$0xE060]  }
0x187: {  	v8 =	vld [tilespmem:s21+$0x2060];
	_ =	sdelay $0x1  }
0x188: {  	v0 =	vadd.f32 v4, v0  }
0x189: {  	[tilespmem:s21+$0x16020] =	vst v5;
	v1 =	vadd.f32 v2, v1  }
0x18a: {  	[tilespmem:s21+$0x16030] =	vst v0;
	v0 =	vadd.f32 v6, v3  }
0x18b: {  	[tilespmem:s21+$0x16040] =	vst v1;
	v1 =	vadd.f32 v8, v7  }
0x18c: {  	s2 =	sor.u32 $0x100400, s6;
	[tilespmem:s21+$0x16050] =	vst v0  }
0x18d: {  	s8 =	simm.s32 $0x16000;
	s2 =	sadd.s32 s4, s2;
	[tilespmem:s21+$0x16060] =	vst v1  }
0x18e: {  	[hbm4b:s2+s5] =	stream.linear.scatter [tilespmem:s8], [sflag:$0xC], $0x2000, $0x38;
	[tilespmem:$0x1C000] =	vst v63  }
0x18f: {  	s2 =	rddreg [dreg:$0x8]  }
0x190: {  	s10 =	simm.s32 @!p0 $0xE000;
	s8 =	simm.s32 @!p0 $0x0;
	s2 =	sadd.s32 @!p0 s20, s2  }
0x191: {  	[tilespmem:s10], [sflag:$0x8] =	stream.linear.gather @!p0 [hbm4b:s2+s8], $0x2000, $0x38;
	[tilespmem:$0x1C000] =	vst v63  }
0x192: {  	_ =	swait.ge [sflag:s28], $0x2000  }
0x193: {  	[sflag:s28] =	ssyncset.done $0x0  }
0x194: {  	s22 =	simm.s32 $0x0;
	[sflag:s28] =	ssyncadd.s32 $0xFFFFE000  }
0x195: {  	s15 =	sand.u32 $0x1C00, s22;
	_ =	swait.ge [sflag:s14], $0x2000  }
0x196: {  	s21 =	sor.u32 s15, s22;
	[sflag:s14] =	ssyncset.done $0x0  }
0x197: {  	s8 =	sor.u32 $0x70, s21;
	[sflag:s14] =	ssyncadd.s32 $0xFFFFE000  }
0x198: {  	s31 =	sand.u32 $0x380, s22;
	v0 =	vld [tilespmem:s8+$0x10000]  }
0x199: {  	s21 =	sor.u32 s31, s15;
	v1 =	vld [tilespmem:s8+$0x2000]  }
0x19a: {  	v2 =	vld [tilespmem:s21+$0x10000]  }
0x19b: {  	v3 =	vld [tilespmem:s21+$0x2000]  }
0x19c: {  	v5 =	vld [tilespmem:s21+$0x10010]  }
0x19d: {  	v6 =	vld [tilespmem:s21+$0x2010]  }
0x19e: {  	v7 =	vld [tilespmem:s21+$0x10020]  }
0x19f: {  	v63 =	vld [tilespmem:s21+$0x2020]  }
0x1a0: {  	v4 =	vld [tilespmem:s21+$0x2030];
	v1 =	vadd.f32 v1, v0  }
0x1a1: {  	v0 =	vld [tilespmem:s21+$0x10030];
	v2 =	vadd.f32 v3, v2  }
0x1a2: {  	v3 =	vadd.f32 v6, v5;
	[tilespmem:s8+$0x18000] =	vst v1;
	v1 =	vld [tilespmem:s21+$0x10040]  }
0x1a3: {  	[tilespmem:s21+$0x18000] =	vst v2;
	v2 =	vld [tilespmem:s21+$0x2040]  }
0x1a4: {  	s15 =	simm.s32 $0x400;
	v5 =	vadd.f32 v63, v7;
	s8 =	simm.s32 $0x0;
	[tilespmem:s21+$0x18010] =	vst v3;
	v3 =	vld [tilespmem:s21+$0x10050]  }
.LBB2_27:
0x1a5: {  	s2 =	sand.u32 $0x1C00, s15;
	v6 =	vld [tilespmem:s21+$0x2050];
	s22 =	sadd.s32 $0x10, s22  }
0x1a6: {  	s8 =	sadd.s32 $0x8, s8;
	s10 =	sand.u32 $0x380, s22;
	s11 =	sor.u32 s2, s22;
	[tilespmem:s21+$0x18020] =	vst v5;
	v0 =	vadd.f32 v4, v0;
	v4 =	vld [tilespmem:s21+$0x10060]  }
0x1a7: {  	p1 =	slt.u32 s8, $0x1F8;
	s2 =	sor.u32 s10, s2;
	s10 =	sor.u32 $0x70, s11;
	v5 =	vld [tilespmem:s21+$0x2060]  }
0x1a8: {  	v7 =	vld [tilespmem:s10+$0x10000];
	[tilespmem:s21+$0x18030] =	vst v0;
	v0 =	vadd.f32 v2, v1  }
0x1a9: {  	v1 =	vld [tilespmem:s10+$0x2000]  }
0x1aa: {  	v2 =	vld [tilespmem:s2+$0x10000];
	[tilespmem:s21+$0x18040] =	vst v0;
	v0 =	vadd.f32 v6, v3  }
0x1ab: {  	v3 =	vld [tilespmem:s2+$0x2000]  }
0x1ac: {  	v6 =	vld [tilespmem:s2+$0x10010];
	[tilespmem:s21+$0x18050] =	vst v0;
	v0 =	vadd.f32 v5, v4  }
0x1ad: {  	v5 =	vld [tilespmem:s2+$0x2010]  }
0x1ae: {  	v8 =	vld [tilespmem:s2+$0x10020];
	v1 =	vadd.f32 v1, v7;
	[tilespmem:s21+$0x18060] =	vst v0;
	s21 =	smov.u32 s2  }
0x1af: {  	v7 =	vld [tilespmem:s21+$0x2020]  }
.Ltmp17:
0x1b0: {  	v2 =	vadd.f32 v3, v2;
	v0 =	vld [tilespmem:s21+$0x10030];
	[tilespmem:s10+$0x18000] =	vst v1;
	(pc) =	sbr.rel @p1 .LBB2_27-.Ltmp17, $4  }
0x1b1: {  	v4 =	vld [tilespmem:s21+$0x2030]  }
0x1b2: {  	[tilespmem:s21+$0x18000] =	vst v2;
	v3 =	vadd.f32 v5, v6;
	v1 =	vld [tilespmem:s21+$0x10040]  }
0x1b3: {  	v2 =	vld [tilespmem:s21+$0x2040]  }
0x1b4: {  	s15 =	sadd.s32 $0x400, s15;
	[tilespmem:s21+$0x18010] =	vst v3;
	v5 =	vadd.f32 v7, v8;
	v3 =	vld [tilespmem:s21+$0x10050]  }
0x1b5: {  	v6 =	vld [tilespmem:s21+$0x2050]  }
0x1b6: {  	v7 =	vld [tilespmem:s21+$0x10060]  }
0x1b7: {  	v8 =	vld [tilespmem:s21+$0x2060];
	_ =	sdelay $0x1  }
0x1b8: {  	v0 =	vadd.f32 v4, v0  }
0x1b9: {  	[tilespmem:s21+$0x18020] =	vst v5;
	v1 =	vadd.f32 v2, v1  }
0x1ba: {  	[tilespmem:s21+$0x18030] =	vst v0;
	v0 =	vadd.f32 v6, v3  }
0x1bb: {  	[tilespmem:s21+$0x18040] =	vst v1;
	v1 =	vadd.f32 v8, v7  }
0x1bc: {  	s2 =	sor.u32 $0x200400, s6;
	[tilespmem:s21+$0x18050] =	vst v0  }
0x1bd: {  	s11 =	simm.s32 $0x18000;
	s2 =	sadd.s32 s4, s2;
	[tilespmem:s21+$0x18060] =	vst v1  }
0x1be: {  	[hbm4b:s2+s5] =	stream.linear.scatter [tilespmem:s11], [sflag:$0xD], $0x2000, $0x38;
	[tilespmem:$0x1C000] =	vst v63  }
0x1bf: {  	s2 =	rddreg [dreg:$0x9]  }
0x1c0: {  	s6 =	simm.s32 @!p0 $0x0;
	s8 =	simm.s32 @!p0 $0x10000;
	s2 =	sadd.s32 @!p0 s20, s2  }
0x1c1: {  	[tilespmem:s8], [sflag:$0x9] =	stream.linear.gather @!p0 [hbm4b:s2+s6], $0x2000, $0x38;
	[tilespmem:$0x1C000] =	vst v63  }
0x1c2: {  	_ =	swait.ge [sflag:s24], $0x2000  }
0x1c3: {  	[sflag:s24] =	ssyncset.done $0x0  }
0x1c4: {  	s20 =	simm.s32 $0x0;
	[sflag:s24] =	ssyncadd.s32 $0xFFFFE000  }
0x1c5: {  	s15 =	sand.u32 $0x1C00, s20;
	_ =	swait.ge [sflag:s17], $0x2000  }
0x1c6: {  	s21 =	sor.u32 s15, s20;
	[sflag:s17] =	ssyncset.done $0x0  }
0x1c7: {  	s22 =	sor.u32 $0x70, s21;
	[sflag:s17] =	ssyncadd.s32 $0xFFFFE000  }
0x1c8: {  	s31 =	sand.u32 $0x380, s20;
	v0 =	vld [tilespmem:s22+$0x12000]  }
0x1c9: {  	s6 =	sor.u32 s31, s15;
	v1 =	vld [tilespmem:s22+$0x2000]  }
0x1ca: {  	v2 =	vld [tilespmem:s6+$0x12000]  }
0x1cb: {  	v3 =	vld [tilespmem:s6+$0x2000]  }
0x1cc: {  	v5 =	vld [tilespmem:s6+$0x12010]  }
0x1cd: {  	v6 =	vld [tilespmem:s6+$0x2010]  }
0x1ce: {  	v7 =	vld [tilespmem:s6+$0x12020]  }
0x1cf: {  	v63 =	vld [tilespmem:s6+$0x2020]  }
0x1d0: {  	v4 =	vld [tilespmem:s6+$0x2030];
	v1 =	vadd.f32 v1, v0  }
0x1d1: {  	v0 =	vld [tilespmem:s6+$0x12030];
	v2 =	vadd.f32 v3, v2  }
0x1d2: {  	v3 =	vadd.f32 v6, v5;
	[tilespmem:s22+$0x1A000] =	vst v1;
	v1 =	vld [tilespmem:s6+$0x12040]  }
0x1d3: {  	[tilespmem:s6+$0x1A000] =	vst v2;
	v2 =	vld [tilespmem:s6+$0x2040]  }
0x1d4: {  	s8 =	simm.s32 $0x0;
	s15 =	simm.s32 $0x400;
	v5 =	vadd.f32 v63, v7;
	[tilespmem:s6+$0x1A010] =	vst v3;
	v3 =	vld [tilespmem:s6+$0x12050]  }
.LBB2_29:
0x1d5: {  	s2 =	sand.u32 $0x1C00, s15;
	v6 =	vld [tilespmem:s6+$0x2050];
	s20 =	sadd.s32 $0x10, s20  }
0x1d6: {  	s8 =	sadd.s32 $0x8, s8;
	s10 =	sand.u32 $0x380, s20;
	s11 =	sor.u32 s2, s20;
	[tilespmem:s6+$0x1A020] =	vst v5;
	v0 =	vadd.f32 v4, v0;
	v4 =	vld [tilespmem:s6+$0x12060]  }
0x1d7: {  	p1 =	slt.u32 s8, $0x1F8;
	s2 =	sor.u32 s10, s2;
	s10 =	sor.u32 $0x70, s11;
	v5 =	vld [tilespmem:s6+$0x2060]  }
0x1d8: {  	v7 =	vld [tilespmem:s10+$0x12000];
	[tilespmem:s6+$0x1A030] =	vst v0;
	v0 =	vadd.f32 v2, v1  }
0x1d9: {  	v1 =	vld [tilespmem:s10+$0x2000]  }
0x1da: {  	v2 =	vld [tilespmem:s2+$0x12000];
	[tilespmem:s6+$0x1A040] =	vst v0;
	v0 =	vadd.f32 v6, v3  }
0x1db: {  	v3 =	vld [tilespmem:s2+$0x2000]  }
0x1dc: {  	v6 =	vld [tilespmem:s2+$0x12010];
	[tilespmem:s6+$0x1A050] =	vst v0;
	v0 =	vadd.f32 v5, v4  }
0x1dd: {  	v5 =	vld [tilespmem:s2+$0x2010]  }
0x1de: {  	v8 =	vld [tilespmem:s2+$0x12020];
	v1 =	vadd.f32 v1, v7;
	[tilespmem:s6+$0x1A060] =	vst v0;
	s6 =	smov.u32 s2  }
0x1df: {  	v7 =	vld [tilespmem:s6+$0x2020]  }
.Ltmp18:
0x1e0: {  	v2 =	vadd.f32 v3, v2;
	v0 =	vld [tilespmem:s6+$0x12030];
	[tilespmem:s10+$0x1A000] =	vst v1;
	(pc) =	sbr.rel @p1 .LBB2_29-.Ltmp18, $4  }
0x1e1: {  	v4 =	vld [tilespmem:s6+$0x2030]  }
0x1e2: {  	[tilespmem:s6+$0x1A000] =	vst v2;
	v3 =	vadd.f32 v5, v6;
	v1 =	vld [tilespmem:s6+$0x12040]  }
0x1e3: {  	v2 =	vld [tilespmem:s6+$0x2040]  }
0x1e4: {  	s15 =	sadd.s32 $0x400, s15;
	[tilespmem:s6+$0x1A010] =	vst v3;
	v5 =	vadd.f32 v7, v8;
	v3 =	vld [tilespmem:s6+$0x12050]  }
0x1e5: {  	v6 =	vld [tilespmem:s6+$0x2050]  }
0x1e6: {  	v7 =	vld [tilespmem:s6+$0x12060]  }
0x1e7: {  	v8 =	vld [tilespmem:s6+$0x2060];
	_ =	sdelay $0x1  }
0x1e8: {  	v0 =	vadd.f32 v4, v0  }
0x1e9: {  	[tilespmem:s6+$0x1A020] =	vst v5;
	v1 =	vadd.f32 v2, v1  }
.Ltmp19:
0x1ea: {  	[tilespmem:s6+$0x1A030] =	vst v0;
	v62 =	vadd.f32 v6, v3;
	(pc) =	sbr.rel @p0 .LBB2_32-.Ltmp19, $4  }
0x1eb: {  	[tilespmem:s6+$0x1A040] =	vst v1;
	v63 =	vadd.f32 v8, v7  }
0x1ec: {  	[tilespmem:s6+$0x1A050] =	vst v62  }
0x1ed: {  	s2 =	sadd.s32 s4, s3;
	[tilespmem:s6+$0x1A060] =	vst v63  }
0x1ee: {  	[hbm4b:s2+s5] =	stream.linear.scatter [tilespmem:s18], [sflag:$0xE], $0x2000, $0x38;
	[tilespmem:$0x1C000] =	vst v63  }
.Ltmp20:
0x1ef: {  	(pc) =	sbr.rel .LBB2_2-.Ltmp20, $4  }
0x1f0: {  	s2 =	sadd.s32 s19, s12  }
0x1f1: {  	s3 =	rddreg [dreg:$0x1];
	s2 =	sshll.u32 s2, $0xA  }
0x1f2: {  	s31 =	simm.s32 $0x2000;
	s1 =	sadd.s32 $0x1, s1;
	s2 =	sadd.s32 s3, s2  }
0x1f3: {  	[tilespmem:s31], [sflag:$0x2] =	stream.linear.gather [hbm4b:s2+s5], $0x2000, $0x38;
	[tilespmem:$0x1C000] =	vst v63  }
.LBB2_33:
0x1f4: {  	_ =	sfence.sel $0x180000  }
0x1f5: {  	[bflag:$0x0] =	sbarrier.arrive $0xFFFF  }
0x1f6: {  	_ =	strace $0x90000047  }
0x1f7: {  	s0 =	stileid.u32;
	[bflag:$0x2] =	sbarrier.arrive $0xFFFF  }
0x1f8: {  	p0 =	sne.s32 s0, $0x0;
	s0 =	rddreg [dreg:$0x3]  }
0x1f9: {  	s0 =	sadd.s32 @!p0 $0x100000, s0  }
0x1fa: {  	[sflag:s0] =	ssyncadd.tile.s32 @!p0 $0x1;
	_ =	shalt  }
.Lfunc_end2:
_tile_overlayer_lowered:
.L_overlay_start_2:
0x1fb: {  	(tag) =	ssettag $0x2  }
0x1fc: {  	s0 =	rddreg [dreg:$0x0];
	s2 =	stileid.u32  }
0x1fd: {  	s1 =	rddreg [dreg:$0x1];
	p0 =	sne.s32 s2, $0x0  }
0x1fe: {  	s3 =	rddreg [dreg:$0x2];
	[bflag:$0x3] =	sbarrier.arrive $0xFFFF;
	s2 =	simm.s32 @!p0 $0x1C0F  }
0x1ff: {  	[timem:s3], [sflag:s2] =	dma.local @!p0 [hbm:s0], s1  }
0x200: {  	s0 =	simm.s32 @!p0 $0xF  }
0x201: {  	_ =	swait.ge @!p0 [sflag:s0], s1  }
0x202: {  	s1 =	ssub.s32 @!p0 $0x0, s1;
	[sflag:s0] =	ssyncset.done @!p0 $0x0  }
0x203: {  	[sflag:s0] =	ssyncadd.s32 @!p0 s1  }
0x204: {  	[bflag:$0x3] =	sbarrier.arrive $0xFFFF  }
0x205: {  	_ =	shalt  }

</sc_bundles>
